<compile_context>
chip_gen: v7x
topology: tpu7x:2x2x1
jax: 0.10.2.dev20260603
libtpu: 0.0.44.dev20260713+nightly
codegen_flags: <defaults>
</compile_context>

<pallas_src>
import functools

import jax
import jax.numpy as jnp
from jax import lax
from jax.experimental import pallas as pl
from jax.experimental.pallas import tpu as pltpu
from jax.experimental.pallas import tpu_sc as plsc

_NC = 2
_NS = 16
_CH = 128


def _sc_mesh():
    return plsc.VectorSubcoreMesh(core_axis_name="c", subcore_axis_name="s")


def _sc_hist(col2d, zeros_pad):
    nch_all, _ = col2d.shape
    npad = zeros_pad.shape[0]
    nw = _NC * _NS
    nch = nch_all // nw
    rpt = npad // _NS

    @functools.partial(
        pl.kernel,
        out_type=jax.ShapeDtypeStruct((_NC, npad), jnp.float32),
        mesh=_sc_mesh(),
        scratch_types=[
            pltpu.VMEM_SHARED((npad,), jnp.float32),
            pltpu.VMEM((nch, _CH), jnp.int32),
            pltpu.VMEM((_CH,), jnp.float32),
        ],
    )
    def k(col_hbm, z_hbm, out_hbm, acc, ic_all, ones_v):
        cid = lax.axis_index("c")
        sid = lax.axis_index("s")
        wid = sid * _NC + cid
        pltpu.sync_copy(z_hbm.at[pl.ds(sid * rpt, rpt)],
                        acc.at[pl.ds(sid * rpt, rpt)])
        pltpu.sync_copy(col_hbm.at[pl.ds(wid * nch, nch)], ic_all)
        for j in range(_CH // 16):
            ones_v[pl.ds(j * 16, 16)] = jnp.ones((16,), jnp.float32)
        plsc.subcore_barrier()

        def body(ch, carry):
            pltpu.sync_copy(ones_v, acc.at[ic_all.at[ch]], add=True)
            return carry

        lax.fori_loop(0, nch, body, 0)
        plsc.subcore_barrier()
        pltpu.sync_copy(acc.at[pl.ds(sid * rpt, rpt)],
                        out_hbm.at[cid].at[pl.ds(sid * rpt, rpt)])

    return k(col2d, zeros_pad)


def _sc_row_scatter(xws, row2d, col2d):
    n, d = xws.shape
    nch_all, _ = row2d.shape
    nw = _NC * _NS
    nch = nch_all // nw
    rpt = n // _NS

    @functools.partial(
        pl.kernel,
        out_type=jax.ShapeDtypeStruct((_NC, n, d), jnp.float32),
        mesh=_sc_mesh(),
        scratch_types=[
            pltpu.VMEM_SHARED((n, d), jnp.float32),
            pltpu.VMEM((nch, _CH), jnp.int32),
            pltpu.VMEM((_CH,), jnp.int32),
            pltpu.VMEM((_CH,), jnp.int32),
            pltpu.VMEM((_CH, d), jnp.float32),
            pltpu.VMEM((_CH, d), jnp.float32),
            pltpu.SemaphoreType.DMA,
            pltpu.SemaphoreType.DMA,
        ],
    )
    def k(xws_hbm, row_hbm, col_hbm, out_hbm, acc, ir_all, ic0, ic1,
          rows0, rows1, sem0, sem1):
        cid = lax.axis_index("c")
        sid = lax.axis_index("s")
        wid = sid * _NC + cid
        pltpu.sync_copy(xws_hbm.at[pl.ds(sid * rpt, rpt)],
                        acc.at[pl.ds(sid * rpt, rpt)])
        pltpu.sync_copy(row_hbm.at[pl.ds(wid * nch, nch)], ir_all)
        plsc.subcore_barrier()

        pltpu.async_copy(xws_hbm.at[ir_all.at[0]], rows0, sem0)
        pltpu.sync_copy(col_hbm.at[wid * nch], ic0)

        def body(it, carry):
            ch0 = it * 2
            ch1 = ch0 + 1
            pltpu.async_copy(xws_hbm.at[ir_all.at[ch1]], rows1, sem1)
            pltpu.sync_copy(col_hbm.at[wid * nch + ch1], ic1)
            pltpu.make_async_copy(xws_hbm.at[ir_all.at[ch0]], rows0,
                                  sem0).wait()
            pltpu.sync_copy(rows0, acc.at[ic0], add=True)

            @pl.when(ch0 + 2 < nch)
            def _():
                pltpu.async_copy(xws_hbm.at[ir_all.at[ch0 + 2]], rows0, sem0)
                pltpu.sync_copy(col_hbm.at[wid * nch + ch0 + 2], ic0)

            pltpu.make_async_copy(xws_hbm.at[ir_all.at[ch1]], rows1,
                                  sem1).wait()
            pltpu.sync_copy(rows1, acc.at[ic1], add=True)
            return carry

        lax.fori_loop(0, nch // 2, body, 0)
        plsc.subcore_barrier()
        pltpu.sync_copy(acc.at[pl.ds(sid * rpt, rpt)],
                        out_hbm.at[cid].at[pl.ds(sid * rpt, rpt)])

    return k(xws, row2d, col2d)


def _sc_scalar_scatter(s1, row2d, col2d, zeros_pad):
    npad = zeros_pad.shape[0]
    nch_all, _ = row2d.shape
    nw = _NC * _NS
    nch = nch_all // nw
    rpt = npad // _NS

    @functools.partial(
        pl.kernel,
        out_type=jax.ShapeDtypeStruct((_NC, npad), jnp.float32),
        mesh=_sc_mesh(),
        scratch_types=[
            pltpu.VMEM_SHARED((npad,), jnp.float32),
            pltpu.VMEM((nch, _CH), jnp.int32),
            pltpu.VMEM((nch, _CH), jnp.int32),
            pltpu.VMEM((_CH,), jnp.float32),
            pltpu.VMEM((_CH,), jnp.float32),
            pltpu.SemaphoreType.DMA,
            pltpu.SemaphoreType.DMA,
        ],
    )
    def k(s1_hbm, row_hbm, col_hbm, z_hbm, out_hbm, acc, ir_all, ic_all,
          val0, val1, sem0, sem1):
        cid = lax.axis_index("c")
        sid = lax.axis_index("s")
        wid = sid * _NC + cid
        pltpu.sync_copy(z_hbm.at[pl.ds(sid * rpt, rpt)],
                        acc.at[pl.ds(sid * rpt, rpt)])
        pltpu.sync_copy(row_hbm.at[pl.ds(wid * nch, nch)], ir_all)
        pltpu.sync_copy(col_hbm.at[pl.ds(wid * nch, nch)], ic_all)
        plsc.subcore_barrier()

        pltpu.async_copy(s1_hbm.at[ir_all.at[0]], val0, sem0)

        def body(it, carry):
            ch0 = it * 2
            ch1 = ch0 + 1
            pltpu.async_copy(s1_hbm.at[ir_all.at[ch1]], val1, sem1)
            pltpu.make_async_copy(s1_hbm.at[ir_all.at[ch0]], val0,
                                  sem0).wait()
            pltpu.sync_copy(val0, acc.at[ic_all.at[ch0]], add=True)

            @pl.when(ch0 + 2 < nch)
            def _():
                pltpu.async_copy(s1_hbm.at[ir_all.at[ch0 + 2]], val0, sem0)

            pltpu.make_async_copy(s1_hbm.at[ir_all.at[ch1]], val1,
                                  sem1).wait()
            pltpu.sync_copy(val1, acc.at[ic_all.at[ch1]], add=True)
            return carry

        lax.fori_loop(0, nch // 2, body, 0)
        plsc.subcore_barrier()
        pltpu.sync_copy(acc.at[pl.ds(sid * rpt, rpt)],
                        out_hbm.at[cid].at[pl.ds(sid * rpt, rpt)])

    return k(s1, row2d, col2d, zeros_pad)


_BLK = 400


def _tc_matmul(x, w):
    n, din = x.shape
    hid = w.shape[1]
    grid = n // _BLK

    def body(x_ref, w_ref, xw_ref):
        xw_ref[...] = jnp.dot(x_ref[...], w_ref[...],
                              preferred_element_type=jnp.float32)

    return pl.pallas_call(
        body,
        grid=(grid,),
        in_specs=[
            pl.BlockSpec((_BLK, din), lambda i: (i, 0)),
            pl.BlockSpec((din, hid), lambda i: (0, 0)),
        ],
        out_specs=pl.BlockSpec((_BLK, hid), lambda i: (i, 0)),
        out_shape=jax.ShapeDtypeStruct((n, hid), jnp.float32),
    )(x, w)


def _tc_scale(xw, d0, d1):
    n, hid = xw.shape
    grid = n // _BLK

    def body(xw_ref, d0_ref, d1_ref, xws_ref, dinv_ref):
        dinv = lax.rsqrt(d0_ref[...] + d1_ref[...] + 1.0)
        xws_ref[...] = xw_ref[...] * dinv
        dinv_ref[...] = dinv

    return pl.pallas_call(
        body,
        grid=(grid,),
        in_specs=[
            pl.BlockSpec((_BLK, hid), lambda i: (i, 0)),
            pl.BlockSpec((_BLK, 1), lambda i: (i, 0)),
            pl.BlockSpec((_BLK, 1), lambda i: (i, 0)),
        ],
        out_specs=[
            pl.BlockSpec((_BLK, hid), lambda i: (i, 0)),
            pl.BlockSpec((_BLK, 1), lambda i: (i, 0)),
        ],
        out_shape=[
            jax.ShapeDtypeStruct((n, hid), jnp.float32),
            jax.ShapeDtypeStruct((n, 1), jnp.float32),
        ],
    )(xw, d0, d1)


def _tc_finish_conv(p0, p1, xws, dinv, b, w2):
    n, hid = p0.shape
    grid = n // _BLK

    def body(p0_ref, p1_ref, xws_ref, dinv_ref, b_ref, w2_ref, h_ref, s_ref):
        agg = p0_ref[...] + p1_ref[...] - xws_ref[...]
        h = jnp.maximum(dinv_ref[...] * agg + b_ref[...], 0.0)
        h_ref[...] = h
        s_ref[...] = jnp.dot(h, w2_ref[...], preferred_element_type=jnp.float32)

    return pl.pallas_call(
        body,
        grid=(grid,),
        in_specs=[
            pl.BlockSpec((_BLK, hid), lambda i: (i, 0)),
            pl.BlockSpec((_BLK, hid), lambda i: (i, 0)),
            pl.BlockSpec((_BLK, hid), lambda i: (i, 0)),
            pl.BlockSpec((_BLK, 1), lambda i: (i, 0)),
            pl.BlockSpec((1, hid), lambda i: (0, 0)),
            pl.BlockSpec((hid, 2), lambda i: (0, 0)),
        ],
        out_specs=[
            pl.BlockSpec((_BLK, hid), lambda i: (i, 0)),
            pl.BlockSpec((_BLK, 2), lambda i: (i, 0)),
        ],
        out_shape=[
            jax.ShapeDtypeStruct((n, hid), jnp.float32),
            jax.ShapeDtypeStruct((n, 2), jnp.float32),
        ],
    )(p0, p1, xws, dinv, b, w2)


def _tc_counts(batch_row, num_graphs, ratio):
    n = batch_row.shape[1]

    def body(b_ref, k_ref, kf_ref):
        g = lax.broadcasted_iota(jnp.int32, (num_graphs, n), 0)
        eq = (b_ref[...] == g).astype(jnp.float32)
        counts = jnp.sum(eq, axis=1, keepdims=True)
        kk = jnp.ceil(ratio * counts)
        k_ref[...] = kk
        kf_ref[...] = jnp.maximum(kk, 1.0)

    return pl.pallas_call(
        body,
        out_shape=[
            jax.ShapeDtypeStruct((num_graphs, 1), jnp.float32),
            jax.ShapeDtypeStruct((num_graphs, 1), jnp.float32),
        ],
    )(batch_row)


_RBLK = 200


def _tc_rank_gate(sa0, sa1, sroot, brel, sa0r, sa1r, srootr, bat_c, bat_r, karr):
    n = sa0.shape[0]
    ng = karr.shape[0]
    grid = n // _RBLK

    def body(sa0_ref, sa1_ref, sroot_ref, brel_ref, sa0r_ref, sa1r_ref,
             srootr_ref, batc_ref, batr_ref, k_ref, gate_ref):
        i = pl.program_id(0)
        si = sa0_ref[...] + sa1_ref[...] + brel_ref[...] + sroot_ref[...]
        sj = sa0r_ref[...] + sa1r_ref[...] + brel_ref[...] + srootr_ref[...]
        bi = batc_ref[...]
        bj = batr_ref[...]
        pos_i = i * _RBLK + lax.broadcasted_iota(jnp.int32, (_RBLK, 1), 0)
        pos_j = lax.broadcasted_iota(jnp.int32, (1, n), 1)
        beats = (sj > si) | ((sj == si) & (pos_j < pos_i))
        cmp = ((bj == bi) & beats).astype(jnp.float32)
        rank = jnp.sum(cmp, axis=1, keepdims=True)
        eqg = (bi == lax.broadcasted_iota(jnp.int32, (_RBLK, ng), 1)).astype(
            jnp.float32)
        k_i = jnp.dot(eqg, k_ref[...], preferred_element_type=jnp.float32)
        gate_ref[...] = jnp.where(rank < k_i, jnp.tanh(si), 0.0)

    return pl.pallas_call(
        body,
        grid=(grid,),
        in_specs=[
            pl.BlockSpec((_RBLK, 1), lambda i: (i, 0)),
            pl.BlockSpec((_RBLK, 1), lambda i: (i, 0)),
            pl.BlockSpec((_RBLK, 1), lambda i: (i, 0)),
            pl.BlockSpec((1, 1), lambda i: (0, 0)),
            pl.BlockSpec((1, n), lambda i: (0, 0)),
            pl.BlockSpec((1, n), lambda i: (0, 0)),
            pl.BlockSpec((1, n), lambda i: (0, 0)),
            pl.BlockSpec((_RBLK, 1), lambda i: (i, 0)),
            pl.BlockSpec((1, n), lambda i: (0, 0)),
            pl.BlockSpec((ng, 1), lambda i: (0, 0)),
        ],
        out_specs=pl.BlockSpec((_RBLK, 1), lambda i: (i, 0)),
        out_shape=jax.ShapeDtypeStruct((n, 1), jnp.float32),
    )(sa0, sa1, sroot, brel, sa0r, sa1r, srootr, bat_c, bat_r, karr)


def _tc_pool_linear(h, gate, bat_c, kf, w_lin, b_lin):
    n, hid = h.shape
    ng = kf.shape[0]
    grid = n // _BLK

    def body(h_ref, g_ref, b_ref, kf_ref, w_ref, bl_ref, out_ref, acc):
        j = pl.program_id(0)

        @pl.when(j == 0)
        def _():
            acc[...] = jnp.zeros((ng, hid), jnp.float32)

        hp = h_ref[...] * g_ref[...]
        eq = (b_ref[...] == lax.broadcasted_iota(jnp.int32, (_BLK, ng), 1)
              ).astype(jnp.float32)
        acc[...] += lax.dot_general(eq, hp, (((0,), (0,)), ((), ())),
                                    preferred_element_type=jnp.float32)

        @pl.when(j == grid - 1)
        def _():
            pooled = acc[...] / kf_ref[...]
            out_ref[...] = jnp.dot(pooled, w_ref[...],
                                   preferred_element_type=jnp.float32) + bl_ref[...]

    return pl.pallas_call(
        body,
        grid=(grid,),
        in_specs=[
            pl.BlockSpec((_BLK, hid), lambda i: (i, 0)),
            pl.BlockSpec((_BLK, 1), lambda i: (i, 0)),
            pl.BlockSpec((_BLK, 1), lambda i: (i, 0)),
            pl.BlockSpec((ng, 1), lambda i: (0, 0)),
            pl.BlockSpec((hid, hid), lambda i: (0, 0)),
            pl.BlockSpec((1, hid), lambda i: (0, 0)),
        ],
        out_specs=pl.BlockSpec((ng, hid), lambda i: (0, 0)),
        out_shape=jax.ShapeDtypeStruct((ng, hid), jnp.float32),
        scratch_shapes=[pltpu.VMEM((ng, hid), jnp.float32)],
    )(h, gate, bat_c, kf, w_lin, b_lin)


def kernel(x, edge_index, batch, W_gcn, b_gcn, w_rel, b_rel, w_root, W_lin, b_lin):
    n = x.shape[0]
    hid = W_gcn.shape[1]
    ng = 64
    ratio = 0.5
    e = edge_index.shape[1]
    nw = _NC * _NS
    unit = 128 * _NS
    npad = -(-n // unit) * unit
    nch = 8 * (-(-e // (nw * _CH * 8)))
    epad = nw * nch * _CH
    sent = jnp.full((epad - e,), n, jnp.int32)
    row2d = jnp.concatenate([edge_index[0], sent]).reshape(-1, _CH)
    col2d = jnp.concatenate([edge_index[1], sent]).reshape(-1, _CH)
    zeros_pad = jnp.zeros((npad,), jnp.float32)

    deg_p = _sc_hist(col2d, zeros_pad)
    d0 = deg_p[0, :n].reshape(n, 1)
    d1 = deg_p[1, :n].reshape(n, 1)

    xw = _tc_matmul(x, W_gcn)
    xws, dinv = _tc_scale(xw, d0, d1)
    xws_pad = jnp.pad(xws, ((0, npad - n), (0, 0)))

    agg_p = _sc_row_scatter(xws_pad, row2d, col2d)

    w2 = jnp.concatenate([w_rel, w_root], axis=1)
    h, s12 = _tc_finish_conv(agg_p[0, :n], agg_p[1, :n], xws, dinv,
                             b_gcn.reshape(1, hid), w2)
    s1_pad = jnp.pad(s12[:, 0], (0, npad - n))
    sroot = s12[:, 1:2]

    sagg_p = _sc_scalar_scatter(s1_pad, row2d, col2d, zeros_pad)

    karr, kf = _tc_counts(batch.reshape(1, n), ng, ratio)

    gate = _tc_rank_gate(
        sagg_p[0, :n].reshape(n, 1), sagg_p[1, :n].reshape(n, 1), sroot,
        b_rel.reshape(1, 1),
        sagg_p[0, :n].reshape(1, n), sagg_p[1, :n].reshape(1, n),
        s12[:, 1].reshape(1, n),
        batch.reshape(n, 1), batch.reshape(1, n), karr)

    return _tc_pool_linear(h, gate, batch.reshape(n, 1), kf, W_lin,
                           b_lin.reshape(1, hid))

# --- scband reference (transcript-rebuilt; emitter-appended) ---
"""Pipeline reference for scband-sagpool-net-53412213293450 (READ-ONLY COPY).

The authoritative reference and input builder live on the scoring server;
editing this copy changes nothing except your own understanding.
"""

import jax, jax.numpy as jnp
import numpy as np

N = 10000
E = 320000
IN_DIM = 128
HID = 128
RATIO = 0.5
NUM_GRAPHS = 64


def setup_inputs(seed: int = 0):
    key = jax.random.key(seed)
    ks = jax.random.split(key, 10)
    x = jax.random.normal(ks[0], (N, IN_DIM), dtype=jnp.float32)
    edge_index = jax.random.randint(ks[1], (2, E), 0, N, dtype=jnp.int32)
    batch = jnp.sort(jax.random.randint(ks[2], (N,), 0, NUM_GRAPHS, dtype=jnp.int32))
    s = 1.0 / np.sqrt(IN_DIM)
    sh = 1.0 / np.sqrt(HID)
    W_gcn = jax.random.uniform(ks[3], (IN_DIM, HID), minval=-s, maxval=s, dtype=jnp.float32)
    b_gcn = jnp.zeros((HID,), dtype=jnp.float32)
    w_rel = jax.random.uniform(ks[4], (HID, 1), minval=-sh, maxval=sh, dtype=jnp.float32)
    b_rel = jnp.zeros((1,), dtype=jnp.float32)
    w_root = jax.random.uniform(ks[5], (HID, 1), minval=-sh, maxval=sh, dtype=jnp.float32)
    W_lin = jax.random.uniform(ks[6], (HID, HID), minval=-sh, maxval=sh, dtype=jnp.float32)
    b_lin = jax.random.uniform(ks[7], (HID,), minval=-sh, maxval=sh, dtype=jnp.float32)
    return {"x": x, "edge_index": edge_index, "batch": batch,
            "W_gcn": W_gcn, "b_gcn": b_gcn, "w_rel": w_rel, "b_rel": b_rel,
            "w_root": w_root, "W_lin": W_lin, "b_lin": b_lin}


def _gcn_conv(x, edge_index, W, b):
    n = x.shape[0]
    loop = jnp.arange(n, dtype=edge_index.dtype)
    row = jnp.concatenate([edge_index[0], loop])
    col = jnp.concatenate([edge_index[1], loop])
    deg = jnp.zeros((n,), dtype=x.dtype).at[col].add(1.0)
    dinv = jnp.where(deg > 0, jax.lax.rsqrt(deg), 0.0)
    norm = dinv[row] * dinv[col]
    h = x @ W
    out = jnp.zeros_like(h).at[col].add(h[row] * norm[:, None])
    return out + b


def _score_graph_conv(x, edge_index, w_rel, b_rel, w_root):
    aggr = jnp.zeros_like(x).at[edge_index[1]].add(x[edge_index[0]])
    return (aggr @ w_rel + b_rel + x @ w_root)[:, 0]


def _topk_mask(score, batch):
    n = score.shape[0]
    counts = jnp.zeros((NUM_GRAPHS,), dtype=batch.dtype).at[batch].add(1)
    offsets = jnp.concatenate([jnp.zeros((1,), dtype=counts.dtype), jnp.cumsum(counts)[:-1]])
    pos = jnp.arange(n, dtype=counts.dtype) - offsets[batch]
    k = jnp.ceil(RATIO * counts.astype(score.dtype)).astype(counts.dtype)
    dense = jnp.full((NUM_GRAPHS, n), -jnp.inf, dtype=score.dtype)
    dense = dense.at[batch, pos].set(score)
    order = jnp.argsort(-dense, axis=1)
    rank = jnp.argsort(order, axis=1)
    return rank[batch, pos] < k[batch]


def reference(x, edge_index, batch, W_gcn, b_gcn, w_rel, b_rel, w_root, W_lin, b_lin):
    h = jax.nn.relu(_gcn_conv(x, edge_index, W_gcn, b_gcn))
    score = _score_graph_conv(h, edge_index, w_rel, b_rel, w_root)
    mask = _topk_mask(score, batch)
    hp = h * jnp.tanh(score)[:, None] * mask[:, None].astype(h.dtype)
    sums = jax.ops.segment_sum(hp, batch, num_segments=NUM_GRAPHS)
    counts = jnp.zeros((NUM_GRAPHS,), dtype=h.dtype).at[batch].add(1.0)
    kf = jnp.maximum(jnp.ceil(RATIO * counts), 1.0).astype(jnp.float32)
    pooled = sums / kf[:, None]
    return pooled @ W_lin + b_lin


if False:  # reference __main__ guard neutralized (emitter)
    out = reference(**setup_inputs())
    print(out.shape)

if __name__ == "__main__":
    import jax
    _d = setup_inputs()
    print(jax.jit(kernel)(*tuple(_d.values())))

</pallas_src>

<mosaic_0001>
#map = affine_map<(d0, d1) -> (0)>
#map1 = affine_map<(d0, d1) -> (0, 0)>
module attributes {stable_mosaic.version = 14 : i64} {
  func.func @k(%arg0: i32, %arg1: i32, %arg2: memref<10240xf32, #tpu.memory_space<hbm>>, %arg3: memref<2560x128xi32, #tpu.memory_space<hbm>>, %arg4: memref<2560x128xi32, #tpu.memory_space<hbm>>, %arg5: memref<10240xf32, #tpu.memory_space<hbm>>, %arg6: memref<2x10240xf32, #tpu.memory_space<hbm>>, %arg7: memref<10240xf32, #tpu.memory_space<vmem_shared>>, %arg8: memref<80x128xi32, #tpu.memory_space<vmem>>, %arg9: memref<80x128xi32, #tpu.memory_space<vmem>>, %arg10: memref<128xf32, #tpu.memory_space<vmem>>, %arg11: memref<128xf32, #tpu.memory_space<vmem>>, %arg12: memref<!tpu.dma_semaphore, #tpu.memory_space<semaphore_mem>>, %arg13: memref<!tpu.dma_semaphore, #tpu.memory_space<semaphore_mem>>) attributes {dimension_semantics = [#tpu.dimension_semantics<core_parallel>, #tpu.dimension_semantics<subcore_parallel>], iteration_bounds = array<i64: 2, 16>, scalar_prefetch = 0 : i64, scratch_operands = 7 : i64, tpu.core_type = #tpu.core_type<sc_vector_subcore>, window_params = [{transform_indices = #map}, {transform_indices = #map1}, {transform_indices = #map1}, {transform_indices = #map}, {transform_indices = #map1}]} {
    %mul3A = arith.constant 2 : i32
    %mul3A_0 = arith.muli %arg1, %mul3A : i32
    %add3A = arith.addi %mul3A_0, %arg0 : i32
    %mul3A_1 = arith.constant 640 : i32
    %mul3A_2 = arith.muli %arg1, %mul3A_1 : i32
    %mul3A_3 = arith.constant 640 : i32
    %mul3A_4 = arith.muli %arg1, %mul3A_3 : i32
    "tpu.region"() ({
      %run_scoped3A = tpu.sem_alloc : memref<!tpu.dma_semaphore, #tpu.memory_space<semaphore_mem>>
      %dma_start3A_24 = tpu.memref_slice %arg7[%mul3A_4] : memref<10240xf32, #tpu.memory_space<vmem_shared>> -> memref<640xf32, #tpu.memory_space<vmem_shared>>
      %dma_start3A_25 = tpu.memref_slice %arg5[%mul3A_2] : memref<10240xf32, #tpu.memory_space<hbm>> -> memref<640xf32, #tpu.memory_space<hbm>>
      tpu.enqueue_dma source(%dma_start3A_25 : memref<640xf32, #tpu.memory_space<hbm>>) target(%dma_start3A_24 : memref<640xf32, #tpu.memory_space<vmem_shared>>) target_semaphore(%run_scoped3A : memref<!tpu.dma_semaphore, #tpu.memory_space<semaphore_mem>>)
      %dma_wait3A = tpu.memref_slice %arg7[%mul3A_4] : memref<10240xf32, #tpu.memory_space<vmem_shared>> -> memref<640xf32, #tpu.memory_space<vmem_shared>>
      %dma_wait3A_26 = tpu.memref_slice %arg5[%mul3A_2] : memref<10240xf32, #tpu.memory_space<hbm>> -> memref<640xf32, #tpu.memory_space<hbm>>
      tpu.wait_dma2 semaphore(%run_scoped3A : memref<!tpu.dma_semaphore, #tpu.memory_space<semaphore_mem>>) src(%dma_wait3A_26 : memref<640xf32, #tpu.memory_space<hbm>>) dst(%dma_wait3A : memref<640xf32, #tpu.memory_space<vmem_shared>>)
      tpu.yield
    }) : () -> ()
    %mul3A_5 = arith.constant 80 : i32
    %mul3A_6 = arith.muli %add3A, %mul3A_5 : i32
    "tpu.region"() ({
      %run_scoped3A = tpu.sem_alloc : memref<!tpu.dma_semaphore, #tpu.memory_space<semaphore_mem>>
      %dma_start3A_24 = arith.constant 0 : i32
      %dma_start3A_25 = tpu.memref_slice %arg3[%mul3A_6, %dma_start3A_24] : memref<2560x128xi32, #tpu.memory_space<hbm>> -> memref<80x128xi32, #tpu.memory_space<hbm>>
      %dma_start3A_26 = arith.constant 0 : i32
      %dma_start3A_27 = tpu.memref_slice %arg3[%mul3A_6, %dma_start3A_26] : memref<2560x128xi32, #tpu.memory_space<hbm>> -> memref<80x128xi32, #tpu.memory_space<hbm>>
      tpu.enqueue_dma source(%dma_start3A_27 : memref<80x128xi32, #tpu.memory_space<hbm>>) target(%arg8 : memref<80x128xi32, #tpu.memory_space<vmem>>) target_semaphore(%run_scoped3A : memref<!tpu.dma_semaphore, #tpu.memory_space<semaphore_mem>>)
      %dma_wait3A = arith.constant 0 : i32
      %dma_wait3A_28 = tpu.memref_slice %arg3[%mul3A_6, %dma_wait3A] : memref<2560x128xi32, #tpu.memory_space<hbm>> -> memref<80x128xi32, #tpu.memory_space<hbm>>
      %dma_wait3A_29 = arith.constant 0 : i32
      %dma_wait3A_30 = tpu.memref_slice %arg3[%mul3A_6, %dma_wait3A_29] : memref<2560x128xi32, #tpu.memory_space<hbm>> -> memref<80x128xi32, #tpu.memory_space<hbm>>
      tpu.wait_dma2 semaphore(%run_scoped3A : memref<!tpu.dma_semaphore, #tpu.memory_space<semaphore_mem>>) src(%dma_wait3A_30 : memref<80x128xi32, #tpu.memory_space<hbm>>) dst(%arg8 : memref<80x128xi32, #tpu.memory_space<vmem>>)
      tpu.yield
    }) : () -> ()
    %mul3A_7 = arith.constant 80 : i32
    %mul3A_8 = arith.muli %add3A, %mul3A_7 : i32
    "tpu.region"() ({
      %run_scoped3A = tpu.sem_alloc : memref<!tpu.dma_semaphore, #tpu.memory_space<semaphore_mem>>
      %dma_start3A_24 = arith.constant 0 : i32
      %dma_start3A_25 = tpu.memref_slice %arg4[%mul3A_8, %dma_start3A_24] : memref<2560x128xi32, #tpu.memory_space<hbm>> -> memref<80x128xi32, #tpu.memory_space<hbm>>
      %dma_start3A_26 = arith.constant 0 : i32
      %dma_start3A_27 = tpu.memref_slice %arg4[%mul3A_8, %dma_start3A_26] : memref<2560x128xi32, #tpu.memory_space<hbm>> -> memref<80x128xi32, #tpu.memory_space<hbm>>
      tpu.enqueue_dma source(%dma_start3A_27 : memref<80x128xi32, #tpu.memory_space<hbm>>) target(%arg9 : memref<80x128xi32, #tpu.memory_space<vmem>>) target_semaphore(%run_scoped3A : memref<!tpu.dma_semaphore, #tpu.memory_space<semaphore_mem>>)
      %dma_wait3A = arith.constant 0 : i32
      %dma_wait3A_28 = tpu.memref_slice %arg4[%mul3A_8, %dma_wait3A] : memref<2560x128xi32, #tpu.memory_space<hbm>> -> memref<80x128xi32, #tpu.memory_space<hbm>>
      %dma_wait3A_29 = arith.constant 0 : i32
      %dma_wait3A_30 = tpu.memref_slice %arg4[%mul3A_8, %dma_wait3A_29] : memref<2560x128xi32, #tpu.memory_space<hbm>> -> memref<80x128xi32, #tpu.memory_space<hbm>>
      tpu.wait_dma2 semaphore(%run_scoped3A : memref<!tpu.dma_semaphore, #tpu.memory_space<semaphore_mem>>) src(%dma_wait3A_30 : memref<80x128xi32, #tpu.memory_space<hbm>>) dst(%arg9 : memref<80x128xi32, #tpu.memory_space<vmem>>)
      tpu.yield
    }) : () -> ()
    %barrier3A = arith.constant 0 : index
    tpu.barrier barrier_id(%barrier3A)
    %dma_start3A = arith.constant 0 : i32
    %dma_start3A_9 = arith.constant 0 : i32
    %dma_start3A_10 = tpu.memref_slice %arg8[%dma_start3A, %dma_start3A_9] : memref<80x128xi32, #tpu.memory_space<vmem>> -> memref<1x128xi32, #tpu.memory_space<vmem>>
    %dma_start3A_11 = tpu.memref_squeeze %dma_start3A_10 : memref<1x128xi32, #tpu.memory_space<vmem>> -> memref<128xi32, #tpu.memory_space<vmem>>
    %dma_start3A_12 = arith.constant 0 : i32
    %dma_start3A_13 = tpu.memref_slice %arg2[%dma_start3A_12] : memref<10240xf32, #tpu.memory_space<hbm>> -> memref<10240xf32, #tpu.memory_space<hbm>>
    tpu.enqueue_indirect_dma source(%dma_start3A_13 : memref<10240xf32, #tpu.memory_space<hbm>>) target(%arg10 : memref<128xf32, #tpu.memory_space<vmem>>) offsets(%dma_start3A_11 : memref<128xi32, #tpu.memory_space<vmem>>) semaphore(%arg12 : memref<!tpu.dma_semaphore, #tpu.memory_space<semaphore_mem>>)
    %scan3A = arith.constant 0 : i32
    %scan3A_14 = arith.constant 0 : i32
    %scan3A_15 = arith.constant 40 : i32
    %scan3A_16 = arith.addi %scan3A_14, %scan3A_15 : i32
    %scan3A_17 = arith.constant 1 : i32
    scf.for %scan3A_24 = %scan3A_14 to %scan3A_16 step %scan3A_17  : i32 {
      %mul3A_25 = arith.constant 2 : i32
      %mul3A_26 = arith.muli %scan3A_24, %mul3A_25 : i32
      %add3A_27 = arith.constant 1 : i32
      %add3A_28 = arith.addi %mul3A_26, %add3A_27 : i32
      %dma_start3A_29 = arith.constant 0 : i32
      %dma_start3A_30 = tpu.memref_slice %arg8[%add3A_28, %dma_start3A_29] : memref<80x128xi32, #tpu.memory_space<vmem>> -> memref<1x128xi32, #tpu.memory_space<vmem>>
      %dma_start3A_31 = tpu.memref_squeeze %dma_start3A_30 : memref<1x128xi32, #tpu.memory_space<vmem>> -> memref<128xi32, #tpu.memory_space<vmem>>
      %dma_start3A_32 = arith.constant 0 : i32
      %dma_start3A_33 = tpu.memref_slice %arg2[%dma_start3A_32] : memref<10240xf32, #tpu.memory_space<hbm>> -> memref<10240xf32, #tpu.memory_space<hbm>>
      tpu.enqueue_indirect_dma source(%dma_start3A_33 : memref<10240xf32, #tpu.memory_space<hbm>>) target(%arg11 : memref<128xf32, #tpu.memory_space<vmem>>) offsets(%dma_start3A_31 : memref<128xi32, #tpu.memory_space<vmem>>) semaphore(%arg13 : memref<!tpu.dma_semaphore, #tpu.memory_space<semaphore_mem>>)
      %dma_wait3A = arith.constant 0 : i32
      %dma_wait3A_34 = tpu.memref_slice %arg8[%mul3A_26, %dma_wait3A] : memref<80x128xi32, #tpu.memory_space<vmem>> -> memref<1x128xi32, #tpu.memory_space<vmem>>
      %dma_wait3A_35 = tpu.memref_squeeze %dma_wait3A_34 : memref<1x128xi32, #tpu.memory_space<vmem>> -> memref<128xi32, #tpu.memory_space<vmem>>
      %dma_wait3A_36 = arith.constant 0 : i32
      %dma_wait3A_37 = tpu.memref_slice %arg2[%dma_wait3A_36] : memref<10240xf32, #tpu.memory_space<hbm>> -> memref<10240xf32, #tpu.memory_space<hbm>>
      tpu.wait_indirect_dma semaphore(%arg12 : memref<!tpu.dma_semaphore, #tpu.memory_space<semaphore_mem>>) src(%dma_wait3A_37 : memref<10240xf32, #tpu.memory_space<hbm>>) dst(%arg10 : memref<128xf32, #tpu.memory_space<vmem>>)
      "tpu.region"() ({
        %run_scoped3A = tpu.sem_alloc : memref<!tpu.dma_semaphore, #tpu.memory_space<semaphore_mem>>
        %dma_start3A_47 = arith.constant 0 : i32
        %dma_start3A_48 = tpu.memref_slice %arg9[%mul3A_26, %dma_start3A_47] : memref<80x128xi32, #tpu.memory_space<vmem>> -> memref<1x128xi32, #tpu.memory_space<vmem>>
        %dma_start3A_49 = tpu.memref_squeeze %dma_start3A_48 : memref<1x128xi32, #tpu.memory_space<vmem>> -> memref<128xi32, #tpu.memory_space<vmem>>
        %dma_start3A_50 = arith.constant 0 : i32
        %dma_start3A_51 = tpu.memref_slice %arg7[%dma_start3A_50] : memref<10240xf32, #tpu.memory_space<vmem_shared>> -> memref<10240xf32, #tpu.memory_space<vmem_shared>>
        tpu.enqueue_indirect_dma source(%arg10 : memref<128xf32, #tpu.memory_space<vmem>>) target(%dma_start3A_51 : memref<10240xf32, #tpu.memory_space<vmem_shared>>) offsets(%dma_start3A_49 : memref<128xi32, #tpu.memory_space<vmem>>) semaphore(%run_scoped3A : memref<!tpu.dma_semaphore, #tpu.memory_space<semaphore_mem>>) {add = true}
        %dma_wait3A_52 = arith.constant 0 : i32
        %dma_wait3A_53 = tpu.memref_slice %arg9[%mul3A_26, %dma_wait3A_52] : memref<80x128xi32, #tpu.memory_space<vmem>> -> memref<1x128xi32, #tpu.memory_space<vmem>>
        %dma_wait3A_54 = tpu.memref_squeeze %dma_wait3A_53 : memref<1x128xi32, #tpu.memory_space<vmem>> -> memref<128xi32, #tpu.memory_space<vmem>>
        %dma_wait3A_55 = arith.constant 0 : i32
        %dma_wait3A_56 = tpu.memref_slice %arg7[%dma_wait3A_55] : memref<10240xf32, #tpu.memory_space<vmem_shared>> -> memref<10240xf32, #tpu.memory_space<vmem_shared>>
        tpu.wait_indirect_dma semaphore(%run_scoped3A : memref<!tpu.dma_semaphore, #tpu.memory_space<semaphore_mem>>) src(%arg10 : memref<128xf32, #tpu.memory_space<vmem>>) dst(%dma_wait3A_56 : memref<10240xf32, #tpu.memory_space<vmem_shared>>)
        tpu.yield
      }) : () -> ()
      %add3A_38 = arith.constant 2 : i32
      %add3A_39 = arith.addi %mul3A_26, %add3A_38 : i32
      %lt3A = arith.constant 80 : i32
      %lt3A_40 = arith.cmpi slt, %add3A_39, %lt3A : i32
      %convert_element_type3A = arith.extui %lt3A_40 : i1 to i32
      %cond3A = arith.constant 0 : i32
      %cond3A_41 = arith.cmpi ne, %convert_element_type3A, %cond3A : i32
      scf.if %cond3A_41 {
        %add3A_47 = arith.constant 2 : i32
        %add3A_48 = arith.addi %mul3A_26, %add3A_47 : i32
        %dma_start3A_49 = arith.constant 0 : i32
        %dma_start3A_50 = tpu.memref_slice %arg8[%add3A_48, %dma_start3A_49] : memref<80x128xi32, #tpu.memory_space<vmem>> -> memref<1x128xi32, #tpu.memory_space<vmem>>
        %dma_start3A_51 = tpu.memref_squeeze %dma_start3A_50 : memref<1x128xi32, #tpu.memory_space<vmem>> -> memref<128xi32, #tpu.memory_space<vmem>>
        %dma_start3A_52 = arith.constant 0 : i32
        %dma_start3A_53 = tpu.memref_slice %arg2[%dma_start3A_52] : memref<10240xf32, #tpu.memory_space<hbm>> -> memref<10240xf32, #tpu.memory_space<hbm>>
        tpu.enqueue_indirect_dma source(%dma_start3A_53 : memref<10240xf32, #tpu.memory_space<hbm>>) target(%arg10 : memref<128xf32, #tpu.memory_space<vmem>>) offsets(%dma_start3A_51 : memref<128xi32, #tpu.memory_space<vmem>>) semaphore(%arg12 : memref<!tpu.dma_semaphore, #tpu.memory_space<semaphore_mem>>)
      } else {
      }
      %dma_wait3A_42 = arith.constant 0 : i32
      %dma_wait3A_43 = tpu.memref_slice %arg8[%add3A_28, %dma_wait3A_42] : memref<80x128xi32, #tpu.memory_space<vmem>> -> memref<1x128xi32, #tpu.memory_space<vmem>>
      %dma_wait3A_44 = tpu.memref_squeeze %dma_wait3A_43 : memref<1x128xi32, #tpu.memory_space<vmem>> -> memref<128xi32, #tpu.memory_space<vmem>>
      %dma_wait3A_45 = arith.constant 0 : i32
      %dma_wait3A_46 = tpu.memref_slice %arg2[%dma_wait3A_45] : memref<10240xf32, #tpu.memory_space<hbm>> -> memref<10240xf32, #tpu.memory_space<hbm>>
      tpu.wait_indirect_dma semaphore(%arg13 : memref<!tpu.dma_semaphore, #tpu.memory_space<semaphore_mem>>) src(%dma_wait3A_46 : memref<10240xf32, #tpu.memory_space<hbm>>) dst(%arg11 : memref<128xf32, #tpu.memory_space<vmem>>)
      "tpu.region"() ({
        %run_scoped3A = tpu.sem_alloc : memref<!tpu.dma_semaphore, #tpu.memory_space<semaphore_mem>>
        %dma_start3A_47 = arith.constant 0 : i32
        %dma_start3A_48 = tpu.memref_slice %arg9[%add3A_28, %dma_start3A_47] : memref<80x128xi32, #tpu.memory_space<vmem>> -> memref<1x128xi32, #tpu.memory_space<vmem>>
        %dma_start3A_49 = tpu.memref_squeeze %dma_start3A_48 : memref<1x128xi32, #tpu.memory_space<vmem>> -> memref<128xi32, #tpu.memory_space<vmem>>
        %dma_start3A_50 = arith.constant 0 : i32
        %dma_start3A_51 = tpu.memref_slice %arg7[%dma_start3A_50] : memref<10240xf32, #tpu.memory_space<vmem_shared>> -> memref<10240xf32, #tpu.memory_space<vmem_shared>>
        tpu.enqueue_indirect_dma source(%arg11 : memref<128xf32, #tpu.memory_space<vmem>>) target(%dma_start3A_51 : memref<10240xf32, #tpu.memory_space<vmem_shared>>) offsets(%dma_start3A_49 : memref<128xi32, #tpu.memory_space<vmem>>) semaphore(%run_scoped3A : memref<!tpu.dma_semaphore, #tpu.memory_space<semaphore_mem>>) {add = true}
        %dma_wait3A_52 = arith.constant 0 : i32
        %dma_wait3A_53 = tpu.memref_slice %arg9[%add3A_28, %dma_wait3A_52] : memref<80x128xi32, #tpu.memory_space<vmem>> -> memref<1x128xi32, #tpu.memory_space<vmem>>
        %dma_wait3A_54 = tpu.memref_squeeze %dma_wait3A_53 : memref<1x128xi32, #tpu.memory_space<vmem>> -> memref<128xi32, #tpu.memory_space<vmem>>
        %dma_wait3A_55 = arith.constant 0 : i32
        %dma_wait3A_56 = tpu.memref_slice %arg7[%dma_wait3A_55] : memref<10240xf32, #tpu.memory_space<vmem_shared>> -> memref<10240xf32, #tpu.memory_space<vmem_shared>>
        tpu.wait_indirect_dma semaphore(%run_scoped3A : memref<!tpu.dma_semaphore, #tpu.memory_space<semaphore_mem>>) src(%arg11 : memref<128xf32, #tpu.memory_space<vmem>>) dst(%dma_wait3A_56 : memref<10240xf32, #tpu.memory_space<vmem_shared>>)
        tpu.yield
      }) : () -> ()
    }
    %scan3A_18 = arith.constant 40 : i32
    %barrier3A_19 = arith.constant 0 : index
    tpu.barrier barrier_id(%barrier3A_19)
    %mul3A_20 = arith.constant 640 : i32
    %mul3A_21 = arith.muli %arg1, %mul3A_20 : i32
    %mul3A_22 = arith.constant 640 : i32
    %mul3A_23 = arith.muli %arg1, %mul3A_22 : i32
    "tpu.region"() ({
      %run_scoped3A = tpu.sem_alloc : memref<!tpu.dma_semaphore, #tpu.memory_space<semaphore_mem>>
      %dma_start3A_24 = arith.constant 0 : i32
      %dma_start3A_25 = tpu.memref_slice %arg6[%arg0, %dma_start3A_24] : memref<2x10240xf32, #tpu.memory_space<hbm>> -> memref<1x10240xf32, #tpu.memory_space<hbm>>
      %dma_start3A_26 = tpu.memref_squeeze %dma_start3A_25 : memref<1x10240xf32, #tpu.memory_space<hbm>> -> memref<10240xf32, #tpu.memory_space<hbm>>
      %dma_start3A_27 = tpu.memref_slice %dma_start3A_26[%mul3A_23] : memref<10240xf32, #tpu.memory_space<hbm>> -> memref<640xf32, #tpu.memory_space<hbm>>
      %dma_start3A_28 = tpu.memref_slice %arg7[%mul3A_21] : memref<10240xf32, #tpu.memory_space<vmem_shared>> -> memref<640xf32, #tpu.memory_space<vmem_shared>>
      tpu.enqueue_dma source(%dma_start3A_28 : memref<640xf32, #tpu.memory_space<vmem_shared>>) target(%dma_start3A_27 : memref<640xf32, #tpu.memory_space<hbm>>) target_semaphore(%run_scoped3A : memref<!tpu.dma_semaphore, #tpu.memory_space<semaphore_mem>>)
      %dma_wait3A = arith.constant 0 : i32
      %dma_wait3A_29 = tpu.memref_slice %arg6[%arg0, %dma_wait3A] : memref<2x10240xf32, #tpu.memory_space<hbm>> -> memref<1x10240xf32, #tpu.memory_space<hbm>>
      %dma_wait3A_30 = tpu.memref_squeeze %dma_wait3A_29 : memref<1x10240xf32, #tpu.memory_space<hbm>> -> memref<10240xf32, #tpu.memory_space<hbm>>
      %dma_wait3A_31 = tpu.memref_slice %dma_wait3A_30[%mul3A_23] : memref<10240xf32, #tpu.memory_space<hbm>> -> memref<640xf32, #tpu.memory_space<hbm>>
      %dma_wait3A_32 = tpu.memref_slice %arg7[%mul3A_21] : memref<10240xf32, #tpu.memory_space<vmem_shared>> -> memref<640xf32, #tpu.memory_space<vmem_shared>>
      tpu.wait_dma2 semaphore(%run_scoped3A : memref<!tpu.dma_semaphore, #tpu.memory_space<semaphore_mem>>) src(%dma_wait3A_32 : memref<640xf32, #tpu.memory_space<vmem_shared>>) dst(%dma_wait3A_31 : memref<640xf32, #tpu.memory_space<hbm>>)
      tpu.yield
    }) : () -> ()
    return
  }
}

#map = affine_map<(d0, d1) -> (0, 0)>
#map1 = affine_map<(d0, d1) -> (0)>
module attributes {stable_mosaic.version = 14 : i64} {
  func.func @k(%arg0: i32, %arg1: i32, %arg2: memref<2560x128xi32, #tpu.memory_space<hbm>>, %arg3: memref<10240xf32, #tpu.memory_space<hbm>>, %arg4: memref<2x10240xf32, #tpu.memory_space<hbm>>, %arg5: memref<10240xf32, #tpu.memory_space<vmem_shared>>, %arg6: memref<80x128xi32, #tpu.memory_space<vmem>>, %arg7: memref<128xf32, #tpu.memory_space<vmem>>) attributes {dimension_semantics = [#tpu.dimension_semantics<core_parallel>, #tpu.dimension_semantics<subcore_parallel>], iteration_bounds = array<i64: 2, 16>, scalar_prefetch = 0 : i64, scratch_operands = 3 : i64, tpu.core_type = #tpu.core_type<sc_vector_subcore>, window_params = [{transform_indices = #map}, {transform_indices = #map1}, {transform_indices = #map}]} {
    %mul3A = arith.constant 2 : i32
    %mul3A_0 = arith.muli %arg1, %mul3A : i32
    %add3A = arith.addi %mul3A_0, %arg0 : i32
    %mul3A_1 = arith.constant 640 : i32
    %mul3A_2 = arith.muli %arg1, %mul3A_1 : i32
    %mul3A_3 = arith.constant 640 : i32
    %mul3A_4 = arith.muli %arg1, %mul3A_3 : i32
    "tpu.region"() ({
      %run_scoped3A = tpu.sem_alloc : memref<!tpu.dma_semaphore, #tpu.memory_space<semaphore_mem>>
      %dma_start3A = tpu.memref_slice %arg5[%mul3A_4] : memref<10240xf32, #tpu.memory_space<vmem_shared>> -> memref<640xf32, #tpu.memory_space<vmem_shared>>
      %dma_start3A_63 = tpu.memref_slice %arg3[%mul3A_2] : memref<10240xf32, #tpu.memory_space<hbm>> -> memref<640xf32, #tpu.memory_space<hbm>>
      tpu.enqueue_dma source(%dma_start3A_63 : memref<640xf32, #tpu.memory_space<hbm>>) target(%dma_start3A : memref<640xf32, #tpu.memory_space<vmem_shared>>) target_semaphore(%run_scoped3A : memref<!tpu.dma_semaphore, #tpu.memory_space<semaphore_mem>>)
      %dma_wait3A = tpu.memref_slice %arg5[%mul3A_4] : memref<10240xf32, #tpu.memory_space<vmem_shared>> -> memref<640xf32, #tpu.memory_space<vmem_shared>>
      %dma_wait3A_64 = tpu.memref_slice %arg3[%mul3A_2] : memref<10240xf32, #tpu.memory_space<hbm>> -> memref<640xf32, #tpu.memory_space<hbm>>
      tpu.wait_dma2 semaphore(%run_scoped3A : memref<!tpu.dma_semaphore, #tpu.memory_space<semaphore_mem>>) src(%dma_wait3A_64 : memref<640xf32, #tpu.memory_space<hbm>>) dst(%dma_wait3A : memref<640xf32, #tpu.memory_space<vmem_shared>>)
      tpu.yield
    }) : () -> ()
    %mul3A_5 = arith.constant 80 : i32
    %mul3A_6 = arith.muli %add3A, %mul3A_5 : i32
    "tpu.region"() ({
      %run_scoped3A = tpu.sem_alloc : memref<!tpu.dma_semaphore, #tpu.memory_space<semaphore_mem>>
      %dma_start3A = arith.constant 0 : i32
      %dma_start3A_63 = tpu.memref_slice %arg2[%mul3A_6, %dma_start3A] : memref<2560x128xi32, #tpu.memory_space<hbm>> -> memref<80x128xi32, #tpu.memory_space<hbm>>
      %dma_start3A_64 = arith.constant 0 : i32
      %dma_start3A_65 = tpu.memref_slice %arg2[%mul3A_6, %dma_start3A_64] : memref<2560x128xi32, #tpu.memory_space<hbm>> -> memref<80x128xi32, #tpu.memory_space<hbm>>
      tpu.enqueue_dma source(%dma_start3A_65 : memref<80x128xi32, #tpu.memory_space<hbm>>) target(%arg6 : memref<80x128xi32, #tpu.memory_space<vmem>>) target_semaphore(%run_scoped3A : memref<!tpu.dma_semaphore, #tpu.memory_space<semaphore_mem>>)
      %dma_wait3A = arith.constant 0 : i32
      %dma_wait3A_66 = tpu.memref_slice %arg2[%mul3A_6, %dma_wait3A] : memref<2560x128xi32, #tpu.memory_space<hbm>> -> memref<80x128xi32, #tpu.memory_space<hbm>>
      %dma_wait3A_67 = arith.constant 0 : i32
      %dma_wait3A_68 = tpu.memref_slice %arg2[%mul3A_6, %dma_wait3A_67] : memref<2560x128xi32, #tpu.memory_space<hbm>> -> memref<80x128xi32, #tpu.memory_space<hbm>>
      tpu.wait_dma2 semaphore(%run_scoped3A : memref<!tpu.dma_semaphore, #tpu.memory_space<semaphore_mem>>) src(%dma_wait3A_68 : memref<80x128xi32, #tpu.memory_space<hbm>>) dst(%arg6 : memref<80x128xi32, #tpu.memory_space<vmem>>)
      tpu.yield
    }) : () -> ()
    %broadcast_in_dim3A = arith.constant 1.000000e+00 : f32
    %broadcast_in_dim3A_7 = vector.broadcast %broadcast_in_dim3A : f32 to vector<16xf32>
    %swap3A = arith.constant 0 : index
    %swap3A_8 = tpu.vector_load %arg7[%swap3A] {strides = array<i32>} : memref<128xf32, #tpu.memory_space<vmem>>, vector<16xf32>,
    %swap3A_9 = vector.shape_cast %swap3A_8 : vector<16xf32> to vector<16xf32>
    %swap3A_10 = vector.shape_cast %broadcast_in_dim3A_7 : vector<16xf32> to vector<16xf32>
    tpu.vector_store %arg7[%swap3A], %swap3A_10 {strides = array<i32>} : memref<128xf32, #tpu.memory_space<vmem>>, vector<16xf32>,
    %broadcast_in_dim3A_11 = arith.constant 1.000000e+00 : f32
    %broadcast_in_dim3A_12 = vector.broadcast %broadcast_in_dim3A_11 : f32 to vector<16xf32>
    %swap3A_13 = arith.constant 16 : index
    %swap3A_14 = tpu.vector_load %arg7[%swap3A_13] {strides = array<i32>} : memref<128xf32, #tpu.memory_space<vmem>>, vector<16xf32>,
    %swap3A_15 = vector.shape_cast %swap3A_14 : vector<16xf32> to vector<16xf32>
    %swap3A_16 = vector.shape_cast %broadcast_in_dim3A_12 : vector<16xf32> to vector<16xf32>
    tpu.vector_store %arg7[%swap3A_13], %swap3A_16 {strides = array<i32>} : memref<128xf32, #tpu.memory_space<vmem>>, vector<16xf32>,
    %broadcast_in_dim3A_17 = arith.constant 1.000000e+00 : f32
    %broadcast_in_dim3A_18 = vector.broadcast %broadcast_in_dim3A_17 : f32 to vector<16xf32>
    %swap3A_19 = arith.constant 32 : index
    %swap3A_20 = tpu.vector_load %arg7[%swap3A_19] {strides = array<i32>} : memref<128xf32, #tpu.memory_space<vmem>>, vector<16xf32>,
    %swap3A_21 = vector.shape_cast %swap3A_20 : vector<16xf32> to vector<16xf32>
    %swap3A_22 = vector.shape_cast %broadcast_in_dim3A_18 : vector<16xf32> to vector<16xf32>
    tpu.vector_store %arg7[%swap3A_19], %swap3A_22 {strides = array<i32>} : memref<128xf32, #tpu.memory_space<vmem>>, vector<16xf32>,
    %broadcast_in_dim3A_23 = arith.constant 1.000000e+00 : f32
    %broadcast_in_dim3A_24 = vector.broadcast %broadcast_in_dim3A_23 : f32 to vector<16xf32>
    %swap3A_25 = arith.constant 48 : index
    %swap3A_26 = tpu.vector_load %arg7[%swap3A_25] {strides = array<i32>} : memref<128xf32, #tpu.memory_space<vmem>>, vector<16xf32>,
    %swap3A_27 = vector.shape_cast %swap3A_26 : vector<16xf32> to vector<16xf32>
    %swap3A_28 = vector.shape_cast %broadcast_in_dim3A_24 : vector<16xf32> to vector<16xf32>
    tpu.vector_store %arg7[%swap3A_25], %swap3A_28 {strides = array<i32>} : memref<128xf32, #tpu.memory_space<vmem>>, vector<16xf32>,
    %broadcast_in_dim3A_29 = arith.constant 1.000000e+00 : f32
    %broadcast_in_dim3A_30 = vector.broadcast %broadcast_in_dim3A_29 : f32 to vector<16xf32>
    %swap3A_31 = arith.constant 64 : index
    %swap3A_32 = tpu.vector_load %arg7[%swap3A_31] {strides = array<i32>} : memref<128xf32, #tpu.memory_space<vmem>>, vector<16xf32>,
    %swap3A_33 = vector.shape_cast %swap3A_32 : vector<16xf32> to vector<16xf32>
    %swap3A_34 = vector.shape_cast %broadcast_in_dim3A_30 : vector<16xf32> to vector<16xf32>
    tpu.vector_store %arg7[%swap3A_31], %swap3A_34 {strides = array<i32>} : memref<128xf32, #tpu.memory_space<vmem>>, vector<16xf32>,
    %broadcast_in_dim3A_35 = arith.constant 1.000000e+00 : f32
    %broadcast_in_dim3A_36 = vector.broadcast %broadcast_in_dim3A_35 : f32 to vector<16xf32>
    %swap3A_37 = arith.constant 80 : index
    %swap3A_38 = tpu.vector_load %arg7[%swap3A_37] {strides = array<i32>} : memref<128xf32, #tpu.memory_space<vmem>>, vector<16xf32>,
    %swap3A_39 = vector.shape_cast %swap3A_38 : vector<16xf32> to vector<16xf32>
    %swap3A_40 = vector.shape_cast %broadcast_in_dim3A_36 : vector<16xf32> to vector<16xf32>
    tpu.vector_store %arg7[%swap3A_37], %swap3A_40 {strides = array<i32>} : memref<128xf32, #tpu.memory_space<vmem>>, vector<16xf32>,
    %broadcast_in_dim3A_41 = arith.constant 1.000000e+00 : f32
    %broadcast_in_dim3A_42 = vector.broadcast %broadcast_in_dim3A_41 : f32 to vector<16xf32>
    %swap3A_43 = arith.constant 96 : index
    %swap3A_44 = tpu.vector_load %arg7[%swap3A_43] {strides = array<i32>} : memref<128xf32, #tpu.memory_space<vmem>>, vector<16xf32>,
    %swap3A_45 = vector.shape_cast %swap3A_44 : vector<16xf32> to vector<16xf32>
    %swap3A_46 = vector.shape_cast %broadcast_in_dim3A_42 : vector<16xf32> to vector<16xf32>
    tpu.vector_store %arg7[%swap3A_43], %swap3A_46 {strides = array<i32>} : memref<128xf32, #tpu.memory_space<vmem>>, vector<16xf32>,
    %broadcast_in_dim3A_47 = arith.constant 1.000000e+00 : f32
    %broadcast_in_dim3A_48 = vector.broadcast %broadcast_in_dim3A_47 : f32 to vector<16xf32>
    %swap3A_49 = arith.constant 112 : index
    %swap3A_50 = tpu.vector_load %arg7[%swap3A_49] {strides = array<i32>} : memref<128xf32, #tpu.memory_space<vmem>>, vector<16xf32>,
    %swap3A_51 = vector.shape_cast %swap3A_50 : vector<16xf32> to vector<16xf32>
    %swap3A_52 = vector.shape_cast %broadcast_in_dim3A_48 : vector<16xf32> to vector<16xf32>
    tpu.vector_store %arg7[%swap3A_49], %swap3A_52 {strides = array<i32>} : memref<128xf32, #tpu.memory_space<vmem>>, vector<16xf32>,
    %barrier3A = arith.constant 0 : index
    tpu.barrier barrier_id(%barrier3A)
    %scan3A = arith.constant 0 : i32
    %scan3A_53 = arith.constant 0 : i32
    %scan3A_54 = arith.constant 80 : i32
    %scan3A_55 = arith.addi %scan3A_53, %scan3A_54 : i32
    %scan3A_56 = arith.constant 1 : i32
    scf.for %scan3A_63 = %scan3A_53 to %scan3A_55 step %scan3A_56  : i32 {
      "tpu.region"() ({
        %run_scoped3A = tpu.sem_alloc : memref<!tpu.dma_semaphore, #tpu.memory_space<semaphore_mem>>
        %dma_start3A = arith.constant 0 : i32
        %dma_start3A_64 = tpu.memref_slice %arg6[%scan3A_63, %dma_start3A] : memref<80x128xi32, #tpu.memory_space<vmem>> -> memref<1x128xi32, #tpu.memory_space<vmem>>
        %dma_start3A_65 = tpu.memref_squeeze %dma_start3A_64 : memref<1x128xi32, #tpu.memory_space<vmem>> -> memref<128xi32, #tpu.memory_space<vmem>>
        %dma_start3A_66 = arith.constant 0 : i32
        %dma_start3A_67 = tpu.memref_slice %arg5[%dma_start3A_66] : memref<10240xf32, #tpu.memory_space<vmem_shared>> -> memref<10240xf32, #tpu.memory_space<vmem_shared>>
        tpu.enqueue_indirect_dma source(%arg7 : memref<128xf32, #tpu.memory_space<vmem>>) target(%dma_start3A_67 : memref<10240xf32, #tpu.memory_space<vmem_shared>>) offsets(%dma_start3A_65 : memref<128xi32, #tpu.memory_space<vmem>>) semaphore(%run_scoped3A : memref<!tpu.dma_semaphore, #tpu.memory_space<semaphore_mem>>) {add = true}
        %dma_wait3A = arith.constant 0 : i32
        %dma_wait3A_68 = tpu.memref_slice %arg6[%scan3A_63, %dma_wait3A] : memref<80x128xi32, #tpu.memory_space<vmem>> -> memref<1x128xi32, #tpu.memory_space<vmem>>
        %dma_wait3A_69 = tpu.memref_squeeze %dma_wait3A_68 : memref<1x128xi32, #tpu.memory_space<vmem>> -> memref<128xi32, #tpu.memory_space<vmem>>
        %dma_wait3A_70 = arith.constant 0 : i32
        %dma_wait3A_71 = tpu.memref_slice %arg5[%dma_wait3A_70] : memref<10240xf32, #tpu.memory_space<vmem_shared>> -> memref<10240xf32, #tpu.memory_space<vmem_shared>>
        tpu.wait_indirect_dma semaphore(%run_scoped3A : memref<!tpu.dma_semaphore, #tpu.memory_space<semaphore_mem>>) src(%arg7 : memref<128xf32, #tpu.memory_space<vmem>>) dst(%dma_wait3A_71 : memref<10240xf32, #tpu.memory_space<vmem_shared>>)
        tpu.yield
      }) : () -> ()
    }
    %scan3A_57 = arith.constant 80 : i32
    %barrier3A_58 = arith.constant 0 : index
    tpu.barrier barrier_id(%barrier3A_58)
    %mul3A_59 = arith.constant 640 : i32
    %mul3A_60 = arith.muli %arg1, %mul3A_59 : i32
    %mul3A_61 = arith.constant 640 : i32
    %mul3A_62 = arith.muli %arg1, %mul3A_61 : i32
    "tpu.region"() ({
      %run_scoped3A = tpu.sem_alloc : memref<!tpu.dma_semaphore, #tpu.memory_space<semaphore_mem>>
      %dma_start3A = arith.constant 0 : i32
      %dma_start3A_63 = tpu.memref_slice %arg4[%arg0, %dma_start3A] : memref<2x10240xf32, #tpu.memory_space<hbm>> -> memref<1x10240xf32, #tpu.memory_space<hbm>>
      %dma_start3A_64 = tpu.memref_squeeze %dma_start3A_63 : memref<1x10240xf32, #tpu.memory_space<hbm>> -> memref<10240xf32, #tpu.memory_space<hbm>>
      %dma_start3A_65 = tpu.memref_slice %dma_start3A_64[%mul3A_62] : memref<10240xf32, #tpu.memory_space<hbm>> -> memref<640xf32, #tpu.memory_space<hbm>>
      %dma_start3A_66 = tpu.memref_slice %arg5[%mul3A_60] : memref<10240xf32, #tpu.memory_space<vmem_shared>> -> memref<640xf32, #tpu.memory_space<vmem_shared>>
      tpu.enqueue_dma source(%dma_start3A_66 : memref<640xf32, #tpu.memory_space<vmem_shared>>) target(%dma_start3A_65 : memref<640xf32, #tpu.memory_space<hbm>>) target_semaphore(%run_scoped3A : memref<!tpu.dma_semaphore, #tpu.memory_space<semaphore_mem>>)
      %dma_wait3A = arith.constant 0 : i32
      %dma_wait3A_67 = tpu.memref_slice %arg4[%arg0, %dma_wait3A] : memref<2x10240xf32, #tpu.memory_space<hbm>> -> memref<1x10240xf32, #tpu.memory_space<hbm>>
      %dma_wait3A_68 = tpu.memref_squeeze %dma_wait3A_67 : memref<1x10240xf32, #tpu.memory_space<hbm>> -> memref<10240xf32, #tpu.memory_space<hbm>>
      %dma_wait3A_69 = tpu.memref_slice %dma_wait3A_68[%mul3A_62] : memref<10240xf32, #tpu.memory_space<hbm>> -> memref<640xf32, #tpu.memory_space<hbm>>
      %dma_wait3A_70 = tpu.memref_slice %arg5[%mul3A_60] : memref<10240xf32, #tpu.memory_space<vmem_shared>> -> memref<640xf32, #tpu.memory_space<vmem_shared>>
      tpu.wait_dma2 semaphore(%run_scoped3A : memref<!tpu.dma_semaphore, #tpu.memory_space<semaphore_mem>>) src(%dma_wait3A_70 : memref<640xf32, #tpu.memory_space<vmem_shared>>) dst(%dma_wait3A_69 : memref<640xf32, #tpu.memory_space<hbm>>)
      tpu.yield
    }) : () -> ()
    return
  }
}

#map = affine_map<(d0, d1) -> (0, 0)>
#map1 = affine_map<(d0, d1) -> (0, 0, 0)>
module attributes {stable_mosaic.version = 14 : i64} {
  func.func @k(%arg0: i32, %arg1: i32, %arg2: memref<10240x128xf32, #tpu.memory_space<hbm>>, %arg3: memref<2560x128xi32, #tpu.memory_space<hbm>>, %arg4: memref<2560x128xi32, #tpu.memory_space<hbm>>, %arg5: memref<2x10240x128xf32, #tpu.memory_space<hbm>>, %arg6: memref<10240x128xf32, #tpu.memory_space<vmem_shared>>, %arg7: memref<80x128xi32, #tpu.memory_space<vmem>>, %arg8: memref<128xi32, #tpu.memory_space<vmem>>, %arg9: memref<128xi32, #tpu.memory_space<vmem>>, %arg10: memref<128x128xf32, #tpu.memory_space<vmem>>, %arg11: memref<128x128xf32, #tpu.memory_space<vmem>>, %arg12: memref<!tpu.dma_semaphore, #tpu.memory_space<semaphore_mem>>, %arg13: memref<!tpu.dma_semaphore, #tpu.memory_space<semaphore_mem>>) attributes {dimension_semantics = [#tpu.dimension_semantics<core_parallel>, #tpu.dimension_semantics<subcore_parallel>], iteration_bounds = array<i64: 2, 16>, scalar_prefetch = 0 : i64, scratch_operands = 8 : i64, tpu.core_type = #tpu.core_type<sc_vector_subcore>, window_params = [{transform_indices = #map}, {transform_indices = #map}, {transform_indices = #map}, {transform_indices = #map1}]} {
    %mul3A = arith.constant 2 : i32
    %mul3A_0 = arith.muli %arg1, %mul3A : i32
    %add3A = arith.addi %mul3A_0, %arg0 : i32
    %mul3A_1 = arith.constant 640 : i32
    %mul3A_2 = arith.muli %arg1, %mul3A_1 : i32
    %mul3A_3 = arith.constant 640 : i32
    %mul3A_4 = arith.muli %arg1, %mul3A_3 : i32
    "tpu.region"() ({
      %run_scoped3A = tpu.sem_alloc : memref<!tpu.dma_semaphore, #tpu.memory_space<semaphore_mem>>
      %dma_start3A_25 = arith.constant 0 : i32
      %dma_start3A_26 = tpu.memref_slice %arg6[%mul3A_4, %dma_start3A_25] : memref<10240x128xf32, #tpu.memory_space<vmem_shared>> -> memref<640x128xf32, #tpu.memory_space<vmem_shared>>
      %dma_start3A_27 = arith.constant 0 : i32
      %dma_start3A_28 = tpu.memref_slice %arg2[%mul3A_2, %dma_start3A_27] : memref<10240x128xf32, #tpu.memory_space<hbm>> -> memref<640x128xf32, #tpu.memory_space<hbm>>
      tpu.enqueue_dma source(%dma_start3A_28 : memref<640x128xf32, #tpu.memory_space<hbm>>) target(%dma_start3A_26 : memref<640x128xf32, #tpu.memory_space<vmem_shared>>) target_semaphore(%run_scoped3A : memref<!tpu.dma_semaphore, #tpu.memory_space<semaphore_mem>>)
      %dma_wait3A = arith.constant 0 : i32
      %dma_wait3A_29 = tpu.memref_slice %arg6[%mul3A_4, %dma_wait3A] : memref<10240x128xf32, #tpu.memory_space<vmem_shared>> -> memref<640x128xf32, #tpu.memory_space<vmem_shared>>
      %dma_wait3A_30 = arith.constant 0 : i32
      %dma_wait3A_31 = tpu.memref_slice %arg2[%mul3A_2, %dma_wait3A_30] : memref<10240x128xf32, #tpu.memory_space<hbm>> -> memref<640x128xf32, #tpu.memory_space<hbm>>
      tpu.wait_dma2 semaphore(%run_scoped3A : memref<!tpu.dma_semaphore, #tpu.memory_space<semaphore_mem>>) src(%dma_wait3A_31 : memref<640x128xf32, #tpu.memory_space<hbm>>) dst(%dma_wait3A_29 : memref<640x128xf32, #tpu.memory_space<vmem_shared>>)
      tpu.yield
    }) : () -> ()
    %mul3A_5 = arith.constant 80 : i32
    %mul3A_6 = arith.muli %add3A, %mul3A_5 : i32
    "tpu.region"() ({
      %run_scoped3A = tpu.sem_alloc : memref<!tpu.dma_semaphore, #tpu.memory_space<semaphore_mem>>
      %dma_start3A_25 = arith.constant 0 : i32
      %dma_start3A_26 = tpu.memref_slice %arg3[%mul3A_6, %dma_start3A_25] : memref<2560x128xi32, #tpu.memory_space<hbm>> -> memref<80x128xi32, #tpu.memory_space<hbm>>
      %dma_start3A_27 = arith.constant 0 : i32
      %dma_start3A_28 = tpu.memref_slice %arg3[%mul3A_6, %dma_start3A_27] : memref<2560x128xi32, #tpu.memory_space<hbm>> -> memref<80x128xi32, #tpu.memory_space<hbm>>
      tpu.enqueue_dma source(%dma_start3A_28 : memref<80x128xi32, #tpu.memory_space<hbm>>) target(%arg7 : memref<80x128xi32, #tpu.memory_space<vmem>>) target_semaphore(%run_scoped3A : memref<!tpu.dma_semaphore, #tpu.memory_space<semaphore_mem>>)
      %dma_wait3A = arith.constant 0 : i32
      %dma_wait3A_29 = tpu.memref_slice %arg3[%mul3A_6, %dma_wait3A] : memref<2560x128xi32, #tpu.memory_space<hbm>> -> memref<80x128xi32, #tpu.memory_space<hbm>>
      %dma_wait3A_30 = arith.constant 0 : i32
      %dma_wait3A_31 = tpu.memref_slice %arg3[%mul3A_6, %dma_wait3A_30] : memref<2560x128xi32, #tpu.memory_space<hbm>> -> memref<80x128xi32, #tpu.memory_space<hbm>>
      tpu.wait_dma2 semaphore(%run_scoped3A : memref<!tpu.dma_semaphore, #tpu.memory_space<semaphore_mem>>) src(%dma_wait3A_31 : memref<80x128xi32, #tpu.memory_space<hbm>>) dst(%arg7 : memref<80x128xi32, #tpu.memory_space<vmem>>)
      tpu.yield
    }) : () -> ()
    %barrier3A = arith.constant 0 : index
    tpu.barrier barrier_id(%barrier3A)
    %dma_start3A = arith.constant 0 : i32
    %dma_start3A_7 = arith.constant 0 : i32
    %dma_start3A_8 = tpu.memref_slice %arg7[%dma_start3A, %dma_start3A_7] : memref<80x128xi32, #tpu.memory_space<vmem>> -> memref<1x128xi32, #tpu.memory_space<vmem>>
    %dma_start3A_9 = tpu.memref_squeeze %dma_start3A_8 : memref<1x128xi32, #tpu.memory_space<vmem>> -> memref<128xi32, #tpu.memory_space<vmem>>
    %dma_start3A_10 = arith.constant 0 : i32
    %dma_start3A_11 = arith.constant 0 : i32
    %dma_start3A_12 = tpu.memref_slice %arg2[%dma_start3A_10, %dma_start3A_11] : memref<10240x128xf32, #tpu.memory_space<hbm>> -> memref<10240x128xf32, #tpu.memory_space<hbm>>
    tpu.enqueue_indirect_dma source(%dma_start3A_12 : memref<10240x128xf32, #tpu.memory_space<hbm>>) target(%arg10 : memref<128x128xf32, #tpu.memory_space<vmem>>) offsets(%dma_start3A_9 : memref<128xi32, #tpu.memory_space<vmem>>) semaphore(%arg12 : memref<!tpu.dma_semaphore, #tpu.memory_space<semaphore_mem>>)
    %mul3A_13 = arith.constant 80 : i32
    %mul3A_14 = arith.muli %add3A, %mul3A_13 : i32
    "tpu.region"() ({
      %run_scoped3A = tpu.sem_alloc : memref<!tpu.dma_semaphore, #tpu.memory_space<semaphore_mem>>
      %dma_start3A_25 = arith.constant 0 : i32
      %dma_start3A_26 = tpu.memref_slice %arg4[%mul3A_14, %dma_start3A_25] : memref<2560x128xi32, #tpu.memory_space<hbm>> -> memref<1x128xi32, #tpu.memory_space<hbm>>
      %dma_start3A_27 = tpu.memref_squeeze %dma_start3A_26 : memref<1x128xi32, #tpu.memory_space<hbm>> -> memref<128xi32, #tpu.memory_space<hbm>>
      %dma_start3A_28 = arith.constant 0 : i32
      %dma_start3A_29 = tpu.memref_slice %arg4[%mul3A_14, %dma_start3A_28] : memref<2560x128xi32, #tpu.memory_space<hbm>> -> memref<1x128xi32, #tpu.memory_space<hbm>>
      %dma_start3A_30 = tpu.memref_squeeze %dma_start3A_29 : memref<1x128xi32, #tpu.memory_space<hbm>> -> memref<128xi32, #tpu.memory_space<hbm>>
      tpu.enqueue_dma source(%dma_start3A_30 : memref<128xi32, #tpu.memory_space<hbm>>) target(%arg8 : memref<128xi32, #tpu.memory_space<vmem>>) target_semaphore(%run_scoped3A : memref<!tpu.dma_semaphore, #tpu.memory_space<semaphore_mem>>)
      %dma_wait3A = arith.constant 0 : i32
      %dma_wait3A_31 = tpu.memref_slice %arg4[%mul3A_14, %dma_wait3A] : memref<2560x128xi32, #tpu.memory_space<hbm>> -> memref<1x128xi32, #tpu.memory_space<hbm>>
      %dma_wait3A_32 = tpu.memref_squeeze %dma_wait3A_31 : memref<1x128xi32, #tpu.memory_space<hbm>> -> memref<128xi32, #tpu.memory_space<hbm>>
      %dma_wait3A_33 = arith.constant 0 : i32
      %dma_wait3A_34 = tpu.memref_slice %arg4[%mul3A_14, %dma_wait3A_33] : memref<2560x128xi32, #tpu.memory_space<hbm>> -> memref<1x128xi32, #tpu.memory_space<hbm>>
      %dma_wait3A_35 = tpu.memref_squeeze %dma_wait3A_34 : memref<1x128xi32, #tpu.memory_space<hbm>> -> memref<128xi32, #tpu.memory_space<hbm>>
      tpu.wait_dma2 semaphore(%run_scoped3A : memref<!tpu.dma_semaphore, #tpu.memory_space<semaphore_mem>>) src(%dma_wait3A_35 : memref<128xi32, #tpu.memory_space<hbm>>) dst(%arg8 : memref<128xi32, #tpu.memory_space<vmem>>)
      tpu.yield
    }) : () -> ()
    %scan3A = arith.constant 0 : i32
    %scan3A_15 = arith.constant 0 : i32
    %scan3A_16 = arith.constant 40 : i32
    %scan3A_17 = arith.addi %scan3A_15, %scan3A_16 : i32
    %scan3A_18 = arith.constant 1 : i32
    scf.for %scan3A_25 = %scan3A_15 to %scan3A_17 step %scan3A_18  : i32 {
      %mul3A_26 = arith.constant 2 : i32
      %mul3A_27 = arith.muli %scan3A_25, %mul3A_26 : i32
      %add3A_28 = arith.constant 1 : i32
      %add3A_29 = arith.addi %mul3A_27, %add3A_28 : i32
      %dma_start3A_30 = arith.constant 0 : i32
      %dma_start3A_31 = tpu.memref_slice %arg7[%add3A_29, %dma_start3A_30] : memref<80x128xi32, #tpu.memory_space<vmem>> -> memref<1x128xi32, #tpu.memory_space<vmem>>
      %dma_start3A_32 = tpu.memref_squeeze %dma_start3A_31 : memref<1x128xi32, #tpu.memory_space<vmem>> -> memref<128xi32, #tpu.memory_space<vmem>>
      %dma_start3A_33 = arith.constant 0 : i32
      %dma_start3A_34 = arith.constant 0 : i32
      %dma_start3A_35 = tpu.memref_slice %arg2[%dma_start3A_33, %dma_start3A_34] : memref<10240x128xf32, #tpu.memory_space<hbm>> -> memref<10240x128xf32, #tpu.memory_space<hbm>>
      tpu.enqueue_indirect_dma source(%dma_start3A_35 : memref<10240x128xf32, #tpu.memory_space<hbm>>) target(%arg11 : memref<128x128xf32, #tpu.memory_space<vmem>>) offsets(%dma_start3A_32 : memref<128xi32, #tpu.memory_space<vmem>>) semaphore(%arg13 : memref<!tpu.dma_semaphore, #tpu.memory_space<semaphore_mem>>)
      %mul3A_36 = arith.constant 80 : i32
      %mul3A_37 = arith.muli %add3A, %mul3A_36 : i32
      %add3A_38 = arith.addi %mul3A_37, %add3A_29 : i32
      "tpu.region"() ({
        %run_scoped3A = tpu.sem_alloc : memref<!tpu.dma_semaphore, #tpu.memory_space<semaphore_mem>>
        %dma_start3A_54 = arith.constant 0 : i32
        %dma_start3A_55 = tpu.memref_slice %arg4[%add3A_38, %dma_start3A_54] : memref<2560x128xi32, #tpu.memory_space<hbm>> -> memref<1x128xi32, #tpu.memory_space<hbm>>
        %dma_start3A_56 = tpu.memref_squeeze %dma_start3A_55 : memref<1x128xi32, #tpu.memory_space<hbm>> -> memref<128xi32, #tpu.memory_space<hbm>>
        %dma_start3A_57 = arith.constant 0 : i32
        %dma_start3A_58 = tpu.memref_slice %arg4[%add3A_38, %dma_start3A_57] : memref<2560x128xi32, #tpu.memory_space<hbm>> -> memref<1x128xi32, #tpu.memory_space<hbm>>
        %dma_start3A_59 = tpu.memref_squeeze %dma_start3A_58 : memref<1x128xi32, #tpu.memory_space<hbm>> -> memref<128xi32, #tpu.memory_space<hbm>>
        tpu.enqueue_dma source(%dma_start3A_59 : memref<128xi32, #tpu.memory_space<hbm>>) target(%arg9 : memref<128xi32, #tpu.memory_space<vmem>>) target_semaphore(%run_scoped3A : memref<!tpu.dma_semaphore, #tpu.memory_space<semaphore_mem>>)
        %dma_wait3A_60 = arith.constant 0 : i32
        %dma_wait3A_61 = tpu.memref_slice %arg4[%add3A_38, %dma_wait3A_60] : memref<2560x128xi32, #tpu.memory_space<hbm>> -> memref<1x128xi32, #tpu.memory_space<hbm>>
        %dma_wait3A_62 = tpu.memref_squeeze %dma_wait3A_61 : memref<1x128xi32, #tpu.memory_space<hbm>> -> memref<128xi32, #tpu.memory_space<hbm>>
        %dma_wait3A_63 = arith.constant 0 : i32
        %dma_wait3A_64 = tpu.memref_slice %arg4[%add3A_38, %dma_wait3A_63] : memref<2560x128xi32, #tpu.memory_space<hbm>> -> memref<1x128xi32, #tpu.memory_space<hbm>>
        %dma_wait3A_65 = tpu.memref_squeeze %dma_wait3A_64 : memref<1x128xi32, #tpu.memory_space<hbm>> -> memref<128xi32, #tpu.memory_space<hbm>>
        tpu.wait_dma2 semaphore(%run_scoped3A : memref<!tpu.dma_semaphore, #tpu.memory_space<semaphore_mem>>) src(%dma_wait3A_65 : memref<128xi32, #tpu.memory_space<hbm>>) dst(%arg9 : memref<128xi32, #tpu.memory_space<vmem>>)
        tpu.yield
      }) : () -> ()
      %dma_wait3A = arith.constant 0 : i32
      %dma_wait3A_39 = tpu.memref_slice %arg7[%mul3A_27, %dma_wait3A] : memref<80x128xi32, #tpu.memory_space<vmem>> -> memref<1x128xi32, #tpu.memory_space<vmem>>
      %dma_wait3A_40 = tpu.memref_squeeze %dma_wait3A_39 : memref<1x128xi32, #tpu.memory_space<vmem>> -> memref<128xi32, #tpu.memory_space<vmem>>
      %dma_wait3A_41 = arith.constant 0 : i32
      %dma_wait3A_42 = arith.constant 0 : i32
      %dma_wait3A_43 = tpu.memref_slice %arg2[%dma_wait3A_41, %dma_wait3A_42] : memref<10240x128xf32, #tpu.memory_space<hbm>> -> memref<10240x128xf32, #tpu.memory_space<hbm>>
      tpu.wait_indirect_dma semaphore(%arg12 : memref<!tpu.dma_semaphore, #tpu.memory_space<semaphore_mem>>) src(%dma_wait3A_43 : memref<10240x128xf32, #tpu.memory_space<hbm>>) dst(%arg10 : memref<128x128xf32, #tpu.memory_space<vmem>>)
      "tpu.region"() ({
        %run_scoped3A = tpu.sem_alloc : memref<!tpu.dma_semaphore, #tpu.memory_space<semaphore_mem>>
        %dma_start3A_54 = arith.constant 0 : i32
        %dma_start3A_55 = arith.constant 0 : i32
        %dma_start3A_56 = tpu.memref_slice %arg6[%dma_start3A_54, %dma_start3A_55] : memref<10240x128xf32, #tpu.memory_space<vmem_shared>> -> memref<10240x128xf32, #tpu.memory_space<vmem_shared>>
        tpu.enqueue_indirect_dma source(%arg10 : memref<128x128xf32, #tpu.memory_space<vmem>>) target(%dma_start3A_56 : memref<10240x128xf32, #tpu.memory_space<vmem_shared>>) offsets(%arg8 : memref<128xi32, #tpu.memory_space<vmem>>) semaphore(%run_scoped3A : memref<!tpu.dma_semaphore, #tpu.memory_space<semaphore_mem>>) {add = true}
        %dma_wait3A_57 = arith.constant 0 : i32
        %dma_wait3A_58 = arith.constant 0 : i32
        %dma_wait3A_59 = tpu.memref_slice %arg6[%dma_wait3A_57, %dma_wait3A_58] : memref<10240x128xf32, #tpu.memory_space<vmem_shared>> -> memref<10240x128xf32, #tpu.memory_space<vmem_shared>>
        tpu.wait_indirect_dma semaphore(%run_scoped3A : memref<!tpu.dma_semaphore, #tpu.memory_space<semaphore_mem>>) src(%arg10 : memref<128x128xf32, #tpu.memory_space<vmem>>) dst(%dma_wait3A_59 : memref<10240x128xf32, #tpu.memory_space<vmem_shared>>)
        tpu.yield
      }) : () -> ()
      %add3A_44 = arith.constant 2 : i32
      %add3A_45 = arith.addi %mul3A_27, %add3A_44 : i32
      %lt3A = arith.constant 80 : i32
      %lt3A_46 = arith.cmpi slt, %add3A_45, %lt3A : i32
      %convert_element_type3A = arith.extui %lt3A_46 : i1 to i32
      %cond3A = arith.constant 0 : i32
      %cond3A_47 = arith.cmpi ne, %convert_element_type3A, %cond3A : i32
      scf.if %cond3A_47 {
        %add3A_54 = arith.constant 2 : i32
        %add3A_55 = arith.addi %mul3A_27, %add3A_54 : i32
        %dma_start3A_56 = arith.constant 0 : i32
        %dma_start3A_57 = tpu.memref_slice %arg7[%add3A_55, %dma_start3A_56] : memref<80x128xi32, #tpu.memory_space<vmem>> -> memref<1x128xi32, #tpu.memory_space<vmem>>
        %dma_start3A_58 = tpu.memref_squeeze %dma_start3A_57 : memref<1x128xi32, #tpu.memory_space<vmem>> -> memref<128xi32, #tpu.memory_space<vmem>>
        %dma_start3A_59 = arith.constant 0 : i32
        %dma_start3A_60 = arith.constant 0 : i32
        %dma_start3A_61 = tpu.memref_slice %arg2[%dma_start3A_59, %dma_start3A_60] : memref<10240x128xf32, #tpu.memory_space<hbm>> -> memref<10240x128xf32, #tpu.memory_space<hbm>>
        tpu.enqueue_indirect_dma source(%dma_start3A_61 : memref<10240x128xf32, #tpu.memory_space<hbm>>) target(%arg10 : memref<128x128xf32, #tpu.memory_space<vmem>>) offsets(%dma_start3A_58 : memref<128xi32, #tpu.memory_space<vmem>>) semaphore(%arg12 : memref<!tpu.dma_semaphore, #tpu.memory_space<semaphore_mem>>)
        %mul3A_62 = arith.constant 80 : i32
        %mul3A_63 = arith.muli %add3A, %mul3A_62 : i32
        %add3A_64 = arith.addi %mul3A_63, %mul3A_27 : i32
        %add3A_65 = arith.constant 2 : i32
        %add3A_66 = arith.addi %add3A_64, %add3A_65 : i32
        "tpu.region"() ({
          %run_scoped3A = tpu.sem_alloc : memref<!tpu.dma_semaphore, #tpu.memory_space<semaphore_mem>>
          %dma_start3A_67 = arith.constant 0 : i32
          %dma_start3A_68 = tpu.memref_slice %arg4[%add3A_66, %dma_start3A_67] : memref<2560x128xi32, #tpu.memory_space<hbm>> -> memref<1x128xi32, #tpu.memory_space<hbm>>
          %dma_start3A_69 = tpu.memref_squeeze %dma_start3A_68 : memref<1x128xi32, #tpu.memory_space<hbm>> -> memref<128xi32, #tpu.memory_space<hbm>>
          %dma_start3A_70 = arith.constant 0 : i32
          %dma_start3A_71 = tpu.memref_slice %arg4[%add3A_66, %dma_start3A_70] : memref<2560x128xi32, #tpu.memory_space<hbm>> -> memref<1x128xi32, #tpu.memory_space<hbm>>
          %dma_start3A_72 = tpu.memref_squeeze %dma_start3A_71 : memref<1x128xi32, #tpu.memory_space<hbm>> -> memref<128xi32, #tpu.memory_space<hbm>>
          tpu.enqueue_dma source(%dma_start3A_72 : memref<128xi32, #tpu.memory_space<hbm>>) target(%arg8 : memref<128xi32, #tpu.memory_space<vmem>>) target_semaphore(%run_scoped3A : memref<!tpu.dma_semaphore, #tpu.memory_space<semaphore_mem>>)
          %dma_wait3A_73 = arith.constant 0 : i32
          %dma_wait3A_74 = tpu.memref_slice %arg4[%add3A_66, %dma_wait3A_73] : memref<2560x128xi32, #tpu.memory_space<hbm>> -> memref<1x128xi32, #tpu.memory_space<hbm>>
          %dma_wait3A_75 = tpu.memref_squeeze %dma_wait3A_74 : memref<1x128xi32, #tpu.memory_space<hbm>> -> memref<128xi32, #tpu.memory_space<hbm>>
          %dma_wait3A_76 = arith.constant 0 : i32
          %dma_wait3A_77 = tpu.memref_slice %arg4[%add3A_66, %dma_wait3A_76] : memref<2560x128xi32, #tpu.memory_space<hbm>> -> memref<1x128xi32, #tpu.memory_space<hbm>>
          %dma_wait3A_78 = tpu.memref_squeeze %dma_wait3A_77 : memref<1x128xi32, #tpu.memory_space<hbm>> -> memref<128xi32, #tpu.memory_space<hbm>>
          tpu.wait_dma2 semaphore(%run_scoped3A : memref<!tpu.dma_semaphore, #tpu.memory_space<semaphore_mem>>) src(%dma_wait3A_78 : memref<128xi32, #tpu.memory_space<hbm>>) dst(%arg8 : memref<128xi32, #tpu.memory_space<vmem>>)
          tpu.yield
        }) : () -> ()
      } else {
      }
      %dma_wait3A_48 = arith.constant 0 : i32
      %dma_wait3A_49 = tpu.memref_slice %arg7[%add3A_29, %dma_wait3A_48] : memref<80x128xi32, #tpu.memory_space<vmem>> -> memref<1x128xi32, #tpu.memory_space<vmem>>
      %dma_wait3A_50 = tpu.memref_squeeze %dma_wait3A_49 : memref<1x128xi32, #tpu.memory_space<vmem>> -> memref<128xi32, #tpu.memory_space<vmem>>
      %dma_wait3A_51 = arith.constant 0 : i32
      %dma_wait3A_52 = arith.constant 0 : i32
      %dma_wait3A_53 = tpu.memref_slice %arg2[%dma_wait3A_51, %dma_wait3A_52] : memref<10240x128xf32, #tpu.memory_space<hbm>> -> memref<10240x128xf32, #tpu.memory_space<hbm>>
      tpu.wait_indirect_dma semaphore(%arg13 : memref<!tpu.dma_semaphore, #tpu.memory_space<semaphore_mem>>) src(%dma_wait3A_53 : memref<10240x128xf32, #tpu.memory_space<hbm>>) dst(%arg11 : memref<128x128xf32, #tpu.memory_space<vmem>>)
      "tpu.region"() ({
        %run_scoped3A = tpu.sem_alloc : memref<!tpu.dma_semaphore, #tpu.memory_space<semaphore_mem>>
        %dma_start3A_54 = arith.constant 0 : i32
        %dma_start3A_55 = arith.constant 0 : i32
        %dma_start3A_56 = tpu.memref_slice %arg6[%dma_start3A_54, %dma_start3A_55] : memref<10240x128xf32, #tpu.memory_space<vmem_shared>> -> memref<10240x128xf32, #tpu.memory_space<vmem_shared>>
        tpu.enqueue_indirect_dma source(%arg11 : memref<128x128xf32, #tpu.memory_space<vmem>>) target(%dma_start3A_56 : memref<10240x128xf32, #tpu.memory_space<vmem_shared>>) offsets(%arg9 : memref<128xi32, #tpu.memory_space<vmem>>) semaphore(%run_scoped3A : memref<!tpu.dma_semaphore, #tpu.memory_space<semaphore_mem>>) {add = true}
        %dma_wait3A_57 = arith.constant 0 : i32
        %dma_wait3A_58 = arith.constant 0 : i32
        %dma_wait3A_59 = tpu.memref_slice %arg6[%dma_wait3A_57, %dma_wait3A_58] : memref<10240x128xf32, #tpu.memory_space<vmem_shared>> -> memref<10240x128xf32, #tpu.memory_space<vmem_shared>>
        tpu.wait_indirect_dma semaphore(%run_scoped3A : memref<!tpu.dma_semaphore, #tpu.memory_space<semaphore_mem>>) src(%arg11 : memref<128x128xf32, #tpu.memory_space<vmem>>) dst(%dma_wait3A_59 : memref<10240x128xf32, #tpu.memory_space<vmem_shared>>)
        tpu.yield
      }) : () -> ()
    }
    %scan3A_19 = arith.constant 40 : i32
    %barrier3A_20 = arith.constant 0 : index
    tpu.barrier barrier_id(%barrier3A_20)
    %mul3A_21 = arith.constant 640 : i32
    %mul3A_22 = arith.muli %arg1, %mul3A_21 : i32
    %mul3A_23 = arith.constant 640 : i32
    %mul3A_24 = arith.muli %arg1, %mul3A_23 : i32
    "tpu.region"() ({
      %run_scoped3A = tpu.sem_alloc : memref<!tpu.dma_semaphore, #tpu.memory_space<semaphore_mem>>
      %dma_start3A_25 = arith.constant 0 : i32
      %dma_start3A_26 = arith.constant 0 : i32
      %dma_start3A_27 = tpu.memref_slice %arg5[%arg0, %dma_start3A_25, %dma_start3A_26] : memref<2x10240x128xf32, #tpu.memory_space<hbm>> -> memref<1x10240x128xf32, #tpu.memory_space<hbm>>
      %dma_start3A_28 = tpu.memref_squeeze %dma_start3A_27 : memref<1x10240x128xf32, #tpu.memory_space<hbm>> -> memref<10240x128xf32, #tpu.memory_space<hbm>>
      %dma_start3A_29 = arith.constant 0 : i32
      %dma_start3A_30 = tpu.memref_slice %dma_start3A_28[%mul3A_24, %dma_start3A_29] : memref<10240x128xf32, #tpu.memory_space<hbm>> -> memref<640x128xf32, #tpu.memory_space<hbm>>
      %dma_start3A_31 = arith.constant 0 : i32
      %dma_start3A_32 = tpu.memref_slice %arg6[%mul3A_22, %dma_start3A_31] : memref<10240x128xf32, #tpu.memory_space<vmem_shared>> -> memref<640x128xf32, #tpu.memory_space<vmem_shared>>
      tpu.enqueue_dma source(%dma_start3A_32 : memref<640x128xf32, #tpu.memory_space<vmem_shared>>) target(%dma_start3A_30 : memref<640x128xf32, #tpu.memory_space<hbm>>) target_semaphore(%run_scoped3A : memref<!tpu.dma_semaphore, #tpu.memory_space<semaphore_mem>>)
      %dma_wait3A = arith.constant 0 : i32
      %dma_wait3A_33 = arith.constant 0 : i32
      %dma_wait3A_34 = tpu.memref_slice %arg5[%arg0, %dma_wait3A, %dma_wait3A_33] : memref<2x10240x128xf32, #tpu.memory_space<hbm>> -> memref<1x10240x128xf32, #tpu.memory_space<hbm>>
      %dma_wait3A_35 = tpu.memref_squeeze %dma_wait3A_34 : memref<1x10240x128xf32, #tpu.memory_space<hbm>> -> memref<10240x128xf32, #tpu.memory_space<hbm>>
      %dma_wait3A_36 = arith.constant 0 : i32
      %dma_wait3A_37 = tpu.memref_slice %dma_wait3A_35[%mul3A_24, %dma_wait3A_36] : memref<10240x128xf32, #tpu.memory_space<hbm>> -> memref<640x128xf32, #tpu.memory_space<hbm>>
      %dma_wait3A_38 = arith.constant 0 : i32
      %dma_wait3A_39 = tpu.memref_slice %arg6[%mul3A_22, %dma_wait3A_38] : memref<10240x128xf32, #tpu.memory_space<vmem_shared>> -> memref<640x128xf32, #tpu.memory_space<vmem_shared>>
      tpu.wait_dma2 semaphore(%run_scoped3A : memref<!tpu.dma_semaphore, #tpu.memory_space<semaphore_mem>>) src(%dma_wait3A_39 : memref<640x128xf32, #tpu.memory_space<vmem_shared>>) dst(%dma_wait3A_37 : memref<640x128xf32, #tpu.memory_space<hbm>>)
      tpu.yield
    }) : () -> ()
    return
  }
}

module attributes {stable_mosaic.version = 14 : i64} {
  func.func @body(%arg0: i32, %arg1: memref<400x128xf32, #tpu.memory_space<vmem>>, %arg2: memref<128x128xf32, #tpu.memory_space<vmem>>, %arg3: memref<400x128xf32, #tpu.memory_space<vmem>>) attributes {dimension_semantics = [#tpu.dimension_semantics<arbitrary>], iteration_bounds = array<i64: 25>, scalar_prefetch = 0 : i64, scratch_operands = 0 : i64, tpu.core_type = #tpu.core_type<tc>, window_params = [{transform_indices = @transform_0, window_bounds = array<i64: 400, 128>}, {pipeline_mode = #tpu.pipeline_mode<synchronous>, transform_indices = @transform_1, window_bounds = array<i64: 128, 128>}, {transform_indices = @transform_2, window_bounds = array<i64: 400, 128>}]} {
    %get3A = arith.constant 0 : index
    %get3A_0 = arith.constant 0 : index
    %get3A_1 = vector.load %arg1[%get3A, %get3A_0] : memref<400x128xf32, #tpu.memory_space<vmem>>, vector<400x128xf32>
    %get3A_2 = arith.constant 0 : index
    %get3A_3 = arith.constant 0 : index
    %get3A_4 = vector.load %arg2[%get3A_2, %get3A_3] : memref<128x128xf32, #tpu.memory_space<vmem>>, vector<128x128xf32>
    %dot_general3A = arith.constant dense<0.000000e+00> : vector<400x128xf32>
    %dot_general3A_5 = tpu.matmul %get3A_1, %get3A_4, %dot_general3A {dimension_numbers = #tpu.dot_dimension_numbers<[1], [0], [0], [1], [0, 0, 1, 1], [], []>, transpose_lhs_hint = false} : vector<400x128xf32>, vector<128x128xf32>, vector<400x128xf32> -> vector<400x128xf32>
    %swap3A = arith.constant 0 : index
    %swap3A_6 = arith.constant 0 : index
    %swap3A_7 = vector.load %arg3[%swap3A, %swap3A_6] : memref<400x128xf32, #tpu.memory_space<vmem>>, vector<400x128xf32>
    tpu.vector_store %arg3[%swap3A, %swap3A_6], %dot_general3A_5 {strides = array<i32>} : memref<400x128xf32, #tpu.memory_space<vmem>>, vector<400x128xf32>,
    return
  }
  func.func @transform_0(%arg0: i32) -> (i32, i32) {
    %c0_i32 = arith.constant 0 : i32
    %c0_i32_0 = arith.constant 0 : i32
    return %arg0, %c0_i32 : i32, i32
  }
  func.func @transform_1(%arg0: i32) -> (i32, i32) {
    %c0_i32 = arith.constant 0 : i32
    %c0_i32_0 = arith.constant 0 : i32
    %c0_i32_1 = arith.constant 0 : i32
    return %c0_i32, %c0_i32_0 : i32, i32
  }
  func.func @transform_2(%arg0: i32) -> (i32, i32) {
    %c0_i32 = arith.constant 0 : i32
    %c0_i32_0 = arith.constant 0 : i32
    return %arg0, %c0_i32 : i32, i32
  }
}

module attributes {stable_mosaic.version = 14 : i64} {
  func.func @body(%arg0: i32, %arg1: memref<400x128xf32, #tpu.memory_space<vmem>>, %arg2: memref<400x1xf32, #tpu.memory_space<vmem>>, %arg3: memref<400x1xf32, #tpu.memory_space<vmem>>, %arg4: memref<400x128xf32, #tpu.memory_space<vmem>>, %arg5: memref<400x1xf32, #tpu.memory_space<vmem>>) attributes {dimension_semantics = [#tpu.dimension_semantics<arbitrary>], iteration_bounds = array<i64: 25>, scalar_prefetch = 0 : i64, scratch_operands = 0 : i64, tpu.core_type = #tpu.core_type<tc>, window_params = [{transform_indices = @transform_0, window_bounds = array<i64: 400, 128>}, {transform_indices = @transform_1, window_bounds = array<i64: 400, 1>}, {transform_indices = @transform_2, window_bounds = array<i64: 400, 1>}, {transform_indices = @transform_3, window_bounds = array<i64: 400, 128>}, {transform_indices = @transform_4, window_bounds = array<i64: 400, 1>}]} {
    %get3A = arith.constant 0 : index
    %get3A_0 = arith.constant 0 : index
    %get3A_1 = vector.load %arg2[%get3A, %get3A_0] : memref<400x1xf32, #tpu.memory_space<vmem>>, vector<400x1xf32>
    %get3A_2 = arith.constant 0 : index
    %get3A_3 = arith.constant 0 : index
    %get3A_4 = vector.load %arg3[%get3A_2, %get3A_3] : memref<400x1xf32, #tpu.memory_space<vmem>>, vector<400x1xf32>
    %add3A = arith.addf %get3A_1, %get3A_4 : vector<400x1xf32>
    %add3A_5 = arith.constant 1.000000e+00 : f32
    %add3A_6 = vector.broadcast %add3A_5 : f32 to vector<400x1xf32>
    %add3A_7 = arith.addf %add3A, %add3A_6 : vector<400x1xf32>
    %rsqrt3A = math.rsqrt %add3A_7 : vector<400x1xf32>
    %get3A_8 = arith.constant 0 : index
    %get3A_9 = arith.constant 0 : index
    %get3A_10 = vector.load %arg1[%get3A_8, %get3A_9] : memref<400x128xf32, #tpu.memory_space<vmem>>, vector<400x128xf32>
    %mul3A = vector.broadcast %rsqrt3A : vector<400x1xf32> to vector<400x128xf32>
    %mul3A_11 = arith.mulf %get3A_10, %mul3A : vector<400x128xf32>
    %swap3A = arith.constant 0 : index
    %swap3A_12 = arith.constant 0 : index
    %swap3A_13 = vector.load %arg4[%swap3A, %swap3A_12] : memref<400x128xf32, #tpu.memory_space<vmem>>, vector<400x128xf32>
    tpu.vector_store %arg4[%swap3A, %swap3A_12], %mul3A_11 {strides = array<i32>} : memref<400x128xf32, #tpu.memory_space<vmem>>, vector<400x128xf32>,
    %swap3A_14 = arith.constant 0 : index
    %swap3A_15 = arith.constant 0 : index
    %swap3A_16 = vector.load %arg5[%swap3A_14, %swap3A_15] : memref<400x1xf32, #tpu.memory_space<vmem>>, vector<400x1xf32>
    tpu.vector_store %arg5[%swap3A_14, %swap3A_15], %rsqrt3A {strides = array<i32>} : memref<400x1xf32, #tpu.memory_space<vmem>>, vector<400x1xf32>,
    return
  }
  func.func @transform_0(%arg0: i32) -> (i32, i32) {
    %c0_i32 = arith.constant 0 : i32
    %c0_i32_0 = arith.constant 0 : i32
    return %arg0, %c0_i32 : i32, i32
  }
  func.func @transform_1(%arg0: i32) -> (i32, i32) {
    %c0_i32 = arith.constant 0 : i32
    %c0_i32_0 = arith.constant 0 : i32
    return %arg0, %c0_i32 : i32, i32
  }
  func.func @transform_2(%arg0: i32) -> (i32, i32) {
    %c0_i32 = arith.constant 0 : i32
    %c0_i32_0 = arith.constant 0 : i32
    return %arg0, %c0_i32 : i32, i32
  }
  func.func @transform_3(%arg0: i32) -> (i32, i32) {
    %c0_i32 = arith.constant 0 : i32
    %c0_i32_0 = arith.constant 0 : i32
    return %arg0, %c0_i32 : i32, i32
  }
  func.func @transform_4(%arg0: i32) -> (i32, i32) {
    %c0_i32 = arith.constant 0 : i32
    %c0_i32_0 = arith.constant 0 : i32
    return %arg0, %c0_i32 : i32, i32
  }
}

module attributes {stable_mosaic.version = 14 : i64} {
  func.func @body(%arg0: i32, %arg1: memref<400x128xf32, #tpu.memory_space<vmem>>, %arg2: memref<400x128xf32, #tpu.memory_space<vmem>>, %arg3: memref<400x128xf32, #tpu.memory_space<vmem>>, %arg4: memref<400x1xf32, #tpu.memory_space<vmem>>, %arg5: memref<1x128xf32, #tpu.memory_space<vmem>>, %arg6: memref<128x2xf32, #tpu.memory_space<vmem>>, %arg7: memref<400x128xf32, #tpu.memory_space<vmem>>, %arg8: memref<400x2xf32, #tpu.memory_space<vmem>>) attributes {dimension_semantics = [#tpu.dimension_semantics<arbitrary>], iteration_bounds = array<i64: 25>, scalar_prefetch = 0 : i64, scratch_operands = 0 : i64, tpu.core_type = #tpu.core_type<tc>, window_params = [{transform_indices = @transform_0, window_bounds = array<i64: 400, 128>}, {transform_indices = @transform_1, window_bounds = array<i64: 400, 128>}, {transform_indices = @transform_2, window_bounds = array<i64: 400, 128>}, {transform_indices = @transform_3, window_bounds = array<i64: 400, 1>}, {pipeline_mode = #tpu.pipeline_mode<synchronous>, transform_indices = @transform_4, window_bounds = array<i64: 1, 128>}, {pipeline_mode = #tpu.pipeline_mode<synchronous>, transform_indices = @transform_5, window_bounds = array<i64: 128, 2>}, {transform_indices = @transform_6, window_bounds = array<i64: 400, 128>}, {transform_indices = @transform_7, window_bounds = array<i64: 400, 2>}]} {
    %get3A = arith.constant 0 : index
    %get3A_0 = arith.constant 0 : index
    %get3A_1 = vector.load %arg1[%get3A, %get3A_0] : memref<400x128xf32, #tpu.memory_space<vmem>>, vector<400x128xf32>
    %get3A_2 = arith.constant 0 : index
    %get3A_3 = arith.constant 0 : index
    %get3A_4 = vector.load %arg2[%get3A_2, %get3A_3] : memref<400x128xf32, #tpu.memory_space<vmem>>, vector<400x128xf32>
    %add3A = arith.addf %get3A_1, %get3A_4 : vector<400x128xf32>
    %get3A_5 = arith.constant 0 : index
    %get3A_6 = arith.constant 0 : index
    %get3A_7 = vector.load %arg3[%get3A_5, %get3A_6] : memref<400x128xf32, #tpu.memory_space<vmem>>, vector<400x128xf32>
    %sub3A = arith.subf %add3A, %get3A_7 : vector<400x128xf32>
    %get3A_8 = arith.constant 0 : index
    %get3A_9 = arith.constant 0 : index
    %get3A_10 = vector.load %arg4[%get3A_8, %get3A_9] : memref<400x1xf32, #tpu.memory_space<vmem>>, vector<400x1xf32>
    %mul3A = vector.broadcast %get3A_10 : vector<400x1xf32> to vector<400x128xf32>
    %mul3A_11 = arith.mulf %mul3A, %sub3A : vector<400x128xf32>
    %get3A_12 = arith.constant 0 : index
    %get3A_13 = arith.constant 0 : index
    %get3A_14 = vector.load %arg5[%get3A_12, %get3A_13] : memref<1x128xf32, #tpu.memory_space<vmem>>, vector<1x128xf32>
    %add3A_15 = vector.broadcast %get3A_14 : vector<1x128xf32> to vector<400x128xf32>
    %add3A_16 = arith.addf %mul3A_11, %add3A_15 : vector<400x128xf32>
    %max3A = arith.constant 0.000000e+00 : f32
    %max3A_17 = vector.broadcast %max3A : f32 to vector<400x128xf32>
    %max3A_18 = arith.maximumf %add3A_16, %max3A_17 : vector<400x128xf32>
    %swap3A = arith.constant 0 : index
    %swap3A_19 = arith.constant 0 : index
    %swap3A_20 = vector.load %arg7[%swap3A, %swap3A_19] : memref<400x128xf32, #tpu.memory_space<vmem>>, vector<400x128xf32>
    tpu.vector_store %arg7[%swap3A, %swap3A_19], %max3A_18 {strides = array<i32>} : memref<400x128xf32, #tpu.memory_space<vmem>>, vector<400x128xf32>,
    %get3A_21 = arith.constant 0 : index
    %get3A_22 = arith.constant 0 : index
    %get3A_23 = vector.load %arg6[%get3A_21, %get3A_22] : memref<128x2xf32, #tpu.memory_space<vmem>>, vector<128x2xf32>
    %dot_general3A = arith.constant dense<0.000000e+00> : vector<400x2xf32>
    %dot_general3A_24 = tpu.matmul %max3A_18, %get3A_23, %dot_general3A {dimension_numbers = #tpu.dot_dimension_numbers<[1], [0], [0], [1], [0, 0, 1, 1], [], []>, transpose_lhs_hint = false} : vector<400x128xf32>, vector<128x2xf32>, vector<400x2xf32> -> vector<400x2xf32>
    %swap3A_25 = arith.constant 0 : index
    %swap3A_26 = arith.constant 0 : index
    %swap3A_27 = vector.load %arg8[%swap3A_25, %swap3A_26] : memref<400x2xf32, #tpu.memory_space<vmem>>, vector<400x2xf32>
    tpu.vector_store %arg8[%swap3A_25, %swap3A_26], %dot_general3A_24 {strides = array<i32>} : memref<400x2xf32, #tpu.memory_space<vmem>>, vector<400x2xf32>,
    return
  }
  func.func @transform_0(%arg0: i32) -> (i32, i32) {
    %c0_i32 = arith.constant 0 : i32
    %c0_i32_0 = arith.constant 0 : i32
    return %arg0, %c0_i32 : i32, i32
  }
  func.func @transform_1(%arg0: i32) -> (i32, i32) {
    %c0_i32 = arith.constant 0 : i32
    %c0_i32_0 = arith.constant 0 : i32
    return %arg0, %c0_i32 : i32, i32
  }
  func.func @transform_2(%arg0: i32) -> (i32, i32) {
    %c0_i32 = arith.constant 0 : i32
    %c0_i32_0 = arith.constant 0 : i32
    return %arg0, %c0_i32 : i32, i32
  }
  func.func @transform_3(%arg0: i32) -> (i32, i32) {
    %c0_i32 = arith.constant 0 : i32
    %c0_i32_0 = arith.constant 0 : i32
    return %arg0, %c0_i32 : i32, i32
  }
  func.func @transform_4(%arg0: i32) -> (i32, i32) {
    %c0_i32 = arith.constant 0 : i32
    %c0_i32_0 = arith.constant 0 : i32
    %c0_i32_1 = arith.constant 0 : i32
    return %c0_i32, %c0_i32_0 : i32, i32
  }
  func.func @transform_5(%arg0: i32) -> (i32, i32) {
    %c0_i32 = arith.constant 0 : i32
    %c0_i32_0 = arith.constant 0 : i32
    %c0_i32_1 = arith.constant 0 : i32
    return %c0_i32, %c0_i32_0 : i32, i32
  }
  func.func @transform_6(%arg0: i32) -> (i32, i32) {
    %c0_i32 = arith.constant 0 : i32
    %c0_i32_0 = arith.constant 0 : i32
    return %arg0, %c0_i32 : i32, i32
  }
  func.func @transform_7(%arg0: i32) -> (i32, i32) {
    %c0_i32 = arith.constant 0 : i32
    %c0_i32_0 = arith.constant 0 : i32
    return %arg0, %c0_i32 : i32, i32
  }
}

module attributes {stable_mosaic.version = 14 : i64} {
  func.func @body(%arg0: memref<1x10000xi32, #tpu.memory_space<vmem>>, %arg1: memref<64x1xf32, #tpu.memory_space<vmem>>, %arg2: memref<64x1xf32, #tpu.memory_space<vmem>>) attributes {dimension_semantics = [], scalar_prefetch = 0 : i64, scratch_operands = 0 : i64, tpu.core_type = #tpu.core_type<tc>} {
    %iota3A = tpu.iota {dimensions = array<i32: 0>} : vector<64x10000xi32>
    %get3A = arith.constant 0 : index
    %get3A_0 = arith.constant 0 : index
    %get3A_1 = vector.load %arg0[%get3A, %get3A_0] : memref<1x10000xi32, #tpu.memory_space<vmem>>, vector<1x10000xi32>
    %eq3A = vector.broadcast %get3A_1 : vector<1x10000xi32> to vector<64x10000xi32>
    %eq3A_2 = arith.cmpi eq, %eq3A, %iota3A : vector<64x10000xi32>
    %convert_element_type3A = arith.extui %eq3A_2 : vector<64x10000xi1> to vector<64x10000xi32>
    %convert_element_type3A_3 = arith.sitofp %convert_element_type3A : vector<64x10000xi32> to vector<64x10000xf32>
    %reduce_sum3A = arith.constant dense<0.000000e+00> : vector<64xf32>
    %reduce_sum3A_4 = vector.multi_reduction <add>, %convert_element_type3A_3, %reduce_sum3A [1] : vector<64x10000xf32> to vector<64xf32>
    %broadcast_in_dim3A = vector.shape_cast %reduce_sum3A_4 : vector<64xf32> to vector<64x1xf32>
    %mul3A = arith.constant 5.000000e-01 : f32
    %mul3A_5 = vector.broadcast %mul3A : f32 to vector<64x1xf32>
    %mul3A_6 = arith.mulf %mul3A_5, %broadcast_in_dim3A : vector<64x1xf32>
    %ceil3A = math.ceil %mul3A_6 : vector<64x1xf32>
    %swap3A = arith.constant 0 : index
    %swap3A_7 = arith.constant 0 : index
    %swap3A_8 = vector.load %arg1[%swap3A, %swap3A_7] : memref<64x1xf32, #tpu.memory_space<vmem>>, vector<64x1xf32>
    tpu.vector_store %arg1[%swap3A, %swap3A_7], %ceil3A {strides = array<i32>} : memref<64x1xf32, #tpu.memory_space<vmem>>, vector<64x1xf32>,
    %max3A = arith.constant 1.000000e+00 : f32
    %max3A_9 = vector.broadcast %max3A : f32 to vector<64x1xf32>
    %max3A_10 = arith.maximumf %ceil3A, %max3A_9 : vector<64x1xf32>
    %swap3A_11 = arith.constant 0 : index
    %swap3A_12 = arith.constant 0 : index
    %swap3A_13 = vector.load %arg2[%swap3A_11, %swap3A_12] : memref<64x1xf32, #tpu.memory_space<vmem>>, vector<64x1xf32>
    tpu.vector_store %arg2[%swap3A_11, %swap3A_12], %max3A_10 {strides = array<i32>} : memref<64x1xf32, #tpu.memory_space<vmem>>, vector<64x1xf32>,
    return
  }
}

module attributes {stable_mosaic.version = 14 : i64} {
  func.func @body(%arg0: i32, %arg1: memref<200x1xf32, #tpu.memory_space<vmem>>, %arg2: memref<200x1xf32, #tpu.memory_space<vmem>>, %arg3: memref<200x1xf32, #tpu.memory_space<vmem>>, %arg4: memref<1x1xf32, #tpu.memory_space<vmem>>, %arg5: memref<1x10000xf32, #tpu.memory_space<vmem>>, %arg6: memref<1x10000xf32, #tpu.memory_space<vmem>>, %arg7: memref<1x10000xf32, #tpu.memory_space<vmem>>, %arg8: memref<200x1xi32, #tpu.memory_space<vmem>>, %arg9: memref<1x10000xi32, #tpu.memory_space<vmem>>, %arg10: memref<64x1xf32, #tpu.memory_space<vmem>>, %arg11: memref<200x1xf32, #tpu.memory_space<vmem>>) attributes {dimension_semantics = [#tpu.dimension_semantics<arbitrary>], iteration_bounds = array<i64: 50>, scalar_prefetch = 0 : i64, scratch_operands = 0 : i64, tpu.core_type = #tpu.core_type<tc>, window_params = [{transform_indices = @transform_0, window_bounds = array<i64: 200, 1>}, {transform_indices = @transform_1, window_bounds = array<i64: 200, 1>}, {transform_indices = @transform_2, window_bounds = array<i64: 200, 1>}, {pipeline_mode = #tpu.pipeline_mode<synchronous>, transform_indices = @transform_3, window_bounds = array<i64: 1, 1>}, {pipeline_mode = #tpu.pipeline_mode<synchronous>, transform_indices = @transform_4, window_bounds = array<i64: 1, 10000>}, {pipeline_mode = #tpu.pipeline_mode<synchronous>, transform_indices = @transform_5, window_bounds = array<i64: 1, 10000>}, {pipeline_mode = #tpu.pipeline_mode<synchronous>, transform_indices = @transform_6, window_bounds = array<i64: 1, 10000>}, {transform_indices = @transform_7, window_bounds = array<i64: 200, 1>}, {pipeline_mode = #tpu.pipeline_mode<synchronous>, transform_indices = @transform_8, window_bounds = array<i64: 1, 10000>}, {pipeline_mode = #tpu.pipeline_mode<synchronous>, transform_indices = @transform_9, window_bounds = array<i64: 64, 1>}, {transform_indices = @transform_10, window_bounds = array<i64: 200, 1>}]} {
    %get3A = arith.constant 0 : index
    %get3A_0 = arith.constant 0 : index
    %get3A_1 = vector.load %arg1[%get3A, %get3A_0] : memref<200x1xf32, #tpu.memory_space<vmem>>, vector<200x1xf32>
    %get3A_2 = arith.constant 0 : index
    %get3A_3 = arith.constant 0 : index
    %get3A_4 = vector.load %arg2[%get3A_2, %get3A_3] : memref<200x1xf32, #tpu.memory_space<vmem>>, vector<200x1xf32>
    %add3A = arith.addf %get3A_1, %get3A_4 : vector<200x1xf32>
    %get3A_5 = arith.constant 0 : index
    %get3A_6 = arith.constant 0 : index
    %get3A_7 = vector.load %arg4[%get3A_5, %get3A_6] : memref<1x1xf32, #tpu.memory_space<vmem>>, vector<1x1xf32>
    %add3A_8 = vector.broadcast %get3A_7 : vector<1x1xf32> to vector<200x1xf32>
    %add3A_9 = arith.addf %add3A, %add3A_8 : vector<200x1xf32>
    %get3A_10 = arith.constant 0 : index
    %get3A_11 = arith.constant 0 : index
    %get3A_12 = vector.load %arg3[%get3A_10, %get3A_11] : memref<200x1xf32, #tpu.memory_space<vmem>>, vector<200x1xf32>
    %add3A_13 = arith.addf %add3A_9, %get3A_12 : vector<200x1xf32>
    %get3A_14 = arith.constant 0 : index
    %get3A_15 = arith.constant 0 : index
    %get3A_16 = vector.load %arg5[%get3A_14, %get3A_15] : memref<1x10000xf32, #tpu.memory_space<vmem>>, vector<1x10000xf32>
    %get3A_17 = arith.constant 0 : index
    %get3A_18 = arith.constant 0 : index
    %get3A_19 = vector.load %arg6[%get3A_17, %get3A_18] : memref<1x10000xf32, #tpu.memory_space<vmem>>, vector<1x10000xf32>
    %add3A_20 = arith.addf %get3A_16, %get3A_19 : vector<1x10000xf32>
    %get3A_21 = arith.constant 0 : index
    %get3A_22 = arith.constant 0 : index
    %get3A_23 = vector.load %arg4[%get3A_21, %get3A_22] : memref<1x1xf32, #tpu.memory_space<vmem>>, vector<1x1xf32>
    %add3A_24 = vector.broadcast %get3A_23 : vector<1x1xf32> to vector<1x10000xf32>
    %add3A_25 = arith.addf %add3A_20, %add3A_24 : vector<1x10000xf32>
    %get3A_26 = arith.constant 0 : index
    %get3A_27 = arith.constant 0 : index
    %get3A_28 = vector.load %arg7[%get3A_26, %get3A_27] : memref<1x10000xf32, #tpu.memory_space<vmem>>, vector<1x10000xf32>
    %add3A_29 = arith.addf %add3A_25, %get3A_28 : vector<1x10000xf32>
    %get3A_30 = arith.constant 0 : index
    %get3A_31 = arith.constant 0 : index
    %get3A_32 = vector.load %arg8[%get3A_30, %get3A_31] : memref<200x1xi32, #tpu.memory_space<vmem>>, vector<200x1xi32>
    %get3A_33 = arith.constant 0 : index
    %get3A_34 = arith.constant 0 : index
    %get3A_35 = vector.load %arg9[%get3A_33, %get3A_34] : memref<1x10000xi32, #tpu.memory_space<vmem>>, vector<1x10000xi32>
    %mul3A = arith.constant 200 : i32
    %mul3A_36 = arith.muli %arg0, %mul3A : i32
    %iota3A = tpu.iota {dimensions = array<i32: 0>} : vector<200x1xi32>
    %add3A_37 = vector.broadcast %mul3A_36 : i32 to vector<200x1xi32>
    %add3A_38 = arith.addi %add3A_37, %iota3A : vector<200x1xi32>
    %iota3A_39 = tpu.iota {dimensions = array<i32: 1>} : vector<1x10000xi32>
    %gt3A = vector.broadcast %add3A_29 : vector<1x10000xf32> to vector<200x10000xf32>
    %gt3A_40 = vector.broadcast %add3A_13 : vector<200x1xf32> to vector<200x10000xf32>
    %gt3A_41 = arith.cmpf ogt, %gt3A, %gt3A_40 : vector<200x10000xf32>
    %eq3A = vector.broadcast %add3A_29 : vector<1x10000xf32> to vector<200x10000xf32>
    %eq3A_42 = vector.broadcast %add3A_13 : vector<200x1xf32> to vector<200x10000xf32>
    %eq3A_43 = arith.cmpf oeq, %eq3A, %eq3A_42 : vector<200x10000xf32>
    %lt3A = vector.broadcast %iota3A_39 : vector<1x10000xi32> to vector<200x10000xi32>
    %lt3A_44 = vector.broadcast %add3A_38 : vector<200x1xi32> to vector<200x10000xi32>
    %lt3A_45 = arith.cmpi slt, %lt3A, %lt3A_44 : vector<200x10000xi32>
    %and3A = arith.andi %eq3A_43, %lt3A_45 : vector<200x10000xi1>
    %or3A = arith.ori %gt3A_41, %and3A : vector<200x10000xi1>
    %eq3A_46 = vector.broadcast %get3A_35 : vector<1x10000xi32> to vector<200x10000xi32>
    %eq3A_47 = vector.broadcast %get3A_32 : vector<200x1xi32> to vector<200x10000xi32>
    %eq3A_48 = arith.cmpi eq, %eq3A_46, %eq3A_47 : vector<200x10000xi32>
    %and3A_49 = arith.andi %eq3A_48, %or3A : vector<200x10000xi1>
    %convert_element_type3A = arith.extui %and3A_49 : vector<200x10000xi1> to vector<200x10000xi32>
    %convert_element_type3A_50 = arith.sitofp %convert_element_type3A : vector<200x10000xi32> to vector<200x10000xf32>
    %reduce_sum3A = arith.constant dense<0.000000e+00> : vector<200xf32>
    %reduce_sum3A_51 = vector.multi_reduction <add>, %convert_element_type3A_50, %reduce_sum3A [1] : vector<200x10000xf32> to vector<200xf32>
    %broadcast_in_dim3A = vector.shape_cast %reduce_sum3A_51 : vector<200xf32> to vector<200x1xf32>
    %iota3A_52 = tpu.iota {dimensions = array<i32: 1>} : vector<200x64xi32>
    %eq3A_53 = vector.broadcast %get3A_32 : vector<200x1xi32> to vector<200x64xi32>
    %eq3A_54 = arith.cmpi eq, %eq3A_53, %iota3A_52 : vector<200x64xi32>
    %convert_element_type3A_55 = arith.extui %eq3A_54 : vector<200x64xi1> to vector<200x64xi32>
    %convert_element_type3A_56 = arith.sitofp %convert_element_type3A_55 : vector<200x64xi32> to vector<200x64xf32>
    %get3A_57 = arith.constant 0 : index
    %get3A_58 = arith.constant 0 : index
    %get3A_59 = vector.load %arg10[%get3A_57, %get3A_58] : memref<64x1xf32, #tpu.memory_space<vmem>>, vector<64x1xf32>
    %dot_general3A = arith.constant dense<0.000000e+00> : vector<200x1xf32>
    %dot_general3A_60 = tpu.matmul %convert_element_type3A_56, %get3A_59, %dot_general3A {dimension_numbers = #tpu.dot_dimension_numbers<[1], [0], [0], [1], [0, 0, 1, 1], [], []>, transpose_lhs_hint = false} : vector<200x64xf32>, vector<64x1xf32>, vector<200x1xf32> -> vector<200x1xf32>
    %lt3A_61 = arith.cmpf olt, %broadcast_in_dim3A, %dot_general3A_60 : vector<200x1xf32>
    %tanh3A = math.tanh %add3A_13 : vector<200x1xf32>
    %jit3A = arith.constant 0.000000e+00 : f32
    %broadcast_in_dim3A_62 = vector.broadcast %jit3A : f32 to vector<200x1xf32>
    %select_n3A = arith.select %lt3A_61, %tanh3A, %broadcast_in_dim3A_62 : vector<200x1xi1>, vector<200x1xf32>
    %swap3A = arith.constant 0 : index
    %swap3A_63 = arith.constant 0 : index
    %swap3A_64 = vector.load %arg11[%swap3A, %swap3A_63] : memref<200x1xf32, #tpu.memory_space<vmem>>, vector<200x1xf32>
    tpu.vector_store %arg11[%swap3A, %swap3A_63], %select_n3A {strides = array<i32>} : memref<200x1xf32, #tpu.memory_space<vmem>>, vector<200x1xf32>,
    return
  }
  func.func @transform_0(%arg0: i32) -> (i32, i32) {
    %c0_i32 = arith.constant 0 : i32
    %c0_i32_0 = arith.constant 0 : i32
    return %arg0, %c0_i32 : i32, i32
  }
  func.func @transform_1(%arg0: i32) -> (i32, i32) {
    %c0_i32 = arith.constant 0 : i32
    %c0_i32_0 = arith.constant 0 : i32
    return %arg0, %c0_i32 : i32, i32
  }
  func.func @transform_2(%arg0: i32) -> (i32, i32) {
    %c0_i32 = arith.constant 0 : i32
    %c0_i32_0 = arith.constant 0 : i32
    return %arg0, %c0_i32 : i32, i32
  }
  func.func @transform_3(%arg0: i32) -> (i32, i32) {
    %c0_i32 = arith.constant 0 : i32
    %c0_i32_0 = arith.constant 0 : i32
    %c0_i32_1 = arith.constant 0 : i32
    return %c0_i32, %c0_i32_0 : i32, i32
  }
  func.func @transform_4(%arg0: i32) -> (i32, i32) {
    %c0_i32 = arith.constant 0 : i32
    %c0_i32_0 = arith.constant 0 : i32
    %c0_i32_1 = arith.constant 0 : i32
    return %c0_i32, %c0_i32_0 : i32, i32
  }
  func.func @transform_5(%arg0: i32) -> (i32, i32) {
    %c0_i32 = arith.constant 0 : i32
    %c0_i32_0 = arith.constant 0 : i32
    %c0_i32_1 = arith.constant 0 : i32
    return %c0_i32, %c0_i32_0 : i32, i32
  }
  func.func @transform_6(%arg0: i32) -> (i32, i32) {
    %c0_i32 = arith.constant 0 : i32
    %c0_i32_0 = arith.constant 0 : i32
    %c0_i32_1 = arith.constant 0 : i32
    return %c0_i32, %c0_i32_0 : i32, i32
  }
  func.func @transform_7(%arg0: i32) -> (i32, i32) {
    %c0_i32 = arith.constant 0 : i32
    %c0_i32_0 = arith.constant 0 : i32
    return %arg0, %c0_i32 : i32, i32
  }
  func.func @transform_8(%arg0: i32) -> (i32, i32) {
    %c0_i32 = arith.constant 0 : i32
    %c0_i32_0 = arith.constant 0 : i32
    %c0_i32_1 = arith.constant 0 : i32
    return %c0_i32, %c0_i32_0 : i32, i32
  }
  func.func @transform_9(%arg0: i32) -> (i32, i32) {
    %c0_i32 = arith.constant 0 : i32
    %c0_i32_0 = arith.constant 0 : i32
    %c0_i32_1 = arith.constant 0 : i32
    return %c0_i32, %c0_i32_0 : i32, i32
  }
  func.func @transform_10(%arg0: i32) -> (i32, i32) {
    %c0_i32 = arith.constant 0 : i32
    %c0_i32_0 = arith.constant 0 : i32
    return %arg0, %c0_i32 : i32, i32
  }
}

module attributes {stable_mosaic.version = 14 : i64} {
  func.func @body(%arg0: i32, %arg1: memref<400x128xf32, #tpu.memory_space<vmem>>, %arg2: memref<400x1xf32, #tpu.memory_space<vmem>>, %arg3: memref<400x1xi32, #tpu.memory_space<vmem>>, %arg4: memref<64x1xf32, #tpu.memory_space<vmem>>, %arg5: memref<128x128xf32, #tpu.memory_space<vmem>>, %arg6: memref<1x128xf32, #tpu.memory_space<vmem>>, %arg7: memref<64x128xf32, #tpu.memory_space<vmem>>, %arg8: memref<64x128xf32, #tpu.memory_space<vmem>>) attributes {dimension_semantics = [#tpu.dimension_semantics<arbitrary>], iteration_bounds = array<i64: 25>, scalar_prefetch = 0 : i64, scratch_operands = 1 : i64, tpu.core_type = #tpu.core_type<tc>, window_params = [{transform_indices = @transform_0, window_bounds = array<i64: 400, 128>}, {transform_indices = @transform_1, window_bounds = array<i64: 400, 1>}, {transform_indices = @transform_2, window_bounds = array<i64: 400, 1>}, {pipeline_mode = #tpu.pipeline_mode<synchronous>, transform_indices = @transform_3, window_bounds = array<i64: 64, 1>}, {pipeline_mode = #tpu.pipeline_mode<synchronous>, transform_indices = @transform_4, window_bounds = array<i64: 128, 128>}, {pipeline_mode = #tpu.pipeline_mode<synchronous>, transform_indices = @transform_5, window_bounds = array<i64: 1, 128>}, {pipeline_mode = #tpu.pipeline_mode<synchronous>, transform_indices = @transform_6, window_bounds = array<i64: 64, 128>}]} {
    %eq3A = arith.constant 0 : i32
    %eq3A_0 = arith.cmpi eq, %arg0, %eq3A : i32
    %convert_element_type3A = arith.extui %eq3A_0 : i1 to i32
    %cond3A = arith.constant 0 : i32
    %cond3A_1 = arith.cmpi ne, %convert_element_type3A, %cond3A : i32
    scf.if %cond3A_1 {
      %broadcast_in_dim3A = arith.constant 0.000000e+00 : f32
      %broadcast_in_dim3A_26 = vector.broadcast %broadcast_in_dim3A : f32 to vector<64x128xf32>
      %swap3A_27 = arith.constant 0 : index
      %swap3A_28 = arith.constant 0 : index
      %swap3A_29 = vector.load %arg8[%swap3A_27, %swap3A_28] : memref<64x128xf32, #tpu.memory_space<vmem>>, vector<64x128xf32>
      tpu.vector_store %arg8[%swap3A_27, %swap3A_28], %broadcast_in_dim3A_26 {strides = array<i32>} : memref<64x128xf32, #tpu.memory_space<vmem>>, vector<64x128xf32>,
    } else {
    }
    %get3A = arith.constant 0 : index
    %get3A_2 = arith.constant 0 : index
    %get3A_3 = vector.load %arg1[%get3A, %get3A_2] : memref<400x128xf32, #tpu.memory_space<vmem>>, vector<400x128xf32>
    %get3A_4 = arith.constant 0 : index
    %get3A_5 = arith.constant 0 : index
    %get3A_6 = vector.load %arg2[%get3A_4, %get3A_5] : memref<400x1xf32, #tpu.memory_space<vmem>>, vector<400x1xf32>
    %mul3A = vector.broadcast %get3A_6 : vector<400x1xf32> to vector<400x128xf32>
    %mul3A_7 = arith.mulf %get3A_3, %mul3A : vector<400x128xf32>
    %get3A_8 = arith.constant 0 : index
    %get3A_9 = arith.constant 0 : index
    %get3A_10 = vector.load %arg3[%get3A_8, %get3A_9] : memref<400x1xi32, #tpu.memory_space<vmem>>, vector<400x1xi32>
    %iota3A = tpu.iota {dimensions = array<i32: 1>} : vector<400x64xi32>
    %eq3A_11 = vector.broadcast %get3A_10 : vector<400x1xi32> to vector<400x64xi32>
    %eq3A_12 = arith.cmpi eq, %eq3A_11, %iota3A : vector<400x64xi32>
    %convert_element_type3A_13 = arith.extui %eq3A_12 : vector<400x64xi1> to vector<400x64xi32>
    %convert_element_type3A_14 = arith.sitofp %convert_element_type3A_13 : vector<400x64xi32> to vector<400x64xf32>
    %get3A_15 = arith.constant 0 : index
    %get3A_16 = arith.constant 0 : index
    %get3A_17 = vector.load %arg8[%get3A_15, %get3A_16] : memref<64x128xf32, #tpu.memory_space<vmem>>, vector<64x128xf32>
    %dot_general3A = arith.constant dense<0.000000e+00> : vector<64x128xf32>
    %dot_general3A_18 = tpu.matmul %convert_element_type3A_14, %mul3A_7, %dot_general3A {dimension_numbers = #tpu.dot_dimension_numbers<[0], [0], [1], [1], [0, 1, 1, 1], [], []>, transpose_lhs_hint = false} : vector<400x64xf32>, vector<400x128xf32>, vector<64x128xf32> -> vector<64x128xf32>
    %add3A = arith.addf %get3A_17, %dot_general3A_18 : vector<64x128xf32>
    %swap3A = arith.constant 0 : index
    %swap3A_19 = arith.constant 0 : index
    %swap3A_20 = vector.load %arg8[%swap3A, %swap3A_19] : memref<64x128xf32, #tpu.memory_space<vmem>>, vector<64x128xf32>
    tpu.vector_store %arg8[%swap3A, %swap3A_19], %add3A {strides = array<i32>} : memref<64x128xf32, #tpu.memory_space<vmem>>, vector<64x128xf32>,
    %eq3A_21 = arith.constant 24 : i32
    %eq3A_22 = arith.cmpi eq, %arg0, %eq3A_21 : i32
    %convert_element_type3A_23 = arith.extui %eq3A_22 : i1 to i32
    %cond3A_24 = arith.constant 0 : i32
    %cond3A_25 = arith.cmpi ne, %convert_element_type3A_23, %cond3A_24 : i32
    scf.if %cond3A_25 {
      %get3A_26 = arith.constant 0 : index
      %get3A_27 = arith.constant 0 : index
      %get3A_28 = vector.load %arg8[%get3A_26, %get3A_27] : memref<64x128xf32, #tpu.memory_space<vmem>>, vector<64x128xf32>
      %get3A_29 = arith.constant 0 : index
      %get3A_30 = arith.constant 0 : index
      %get3A_31 = vector.load %arg4[%get3A_29, %get3A_30] : memref<64x1xf32, #tpu.memory_space<vmem>>, vector<64x1xf32>
      %div3A = vector.broadcast %get3A_31 : vector<64x1xf32> to vector<64x128xf32>
      %div3A_32 = arith.divf %get3A_28, %div3A : vector<64x128xf32>
      %get3A_33 = arith.constant 0 : index
      %get3A_34 = arith.constant 0 : index
      %get3A_35 = vector.load %arg5[%get3A_33, %get3A_34] : memref<128x128xf32, #tpu.memory_space<vmem>>, vector<128x128xf32>
      %dot_general3A_36 = arith.constant dense<0.000000e+00> : vector<64x128xf32>
      %dot_general3A_37 = tpu.matmul %div3A_32, %get3A_35, %dot_general3A_36 {dimension_numbers = #tpu.dot_dimension_numbers<[1], [0], [0], [1], [0, 0, 1, 1], [], []>, transpose_lhs_hint = false} : vector<64x128xf32>, vector<128x128xf32>, vector<64x128xf32> -> vector<64x128xf32>
      %get3A_38 = arith.constant 0 : index
      %get3A_39 = arith.constant 0 : index
      %get3A_40 = vector.load %arg6[%get3A_38, %get3A_39] : memref<1x128xf32, #tpu.memory_space<vmem>>, vector<1x128xf32>
      %add3A_41 = vector.broadcast %get3A_40 : vector<1x128xf32> to vector<64x128xf32>
      %add3A_42 = arith.addf %dot_general3A_37, %add3A_41 : vector<64x128xf32>
      %swap3A_43 = arith.constant 0 : index
      %swap3A_44 = arith.constant 0 : index
      %swap3A_45 = vector.load %arg7[%swap3A_43, %swap3A_44] : memref<64x128xf32, #tpu.memory_space<vmem>>, vector<64x128xf32>
      tpu.vector_store %arg7[%swap3A_43, %swap3A_44], %add3A_42 {strides = array<i32>} : memref<64x128xf32, #tpu.memory_space<vmem>>, vector<64x128xf32>,
    } else {
    }
    return
  }
  func.func @transform_0(%arg0: i32) -> (i32, i32) {
    %c0_i32 = arith.constant 0 : i32
    %c0_i32_0 = arith.constant 0 : i32
    return %arg0, %c0_i32 : i32, i32
  }
  func.func @transform_1(%arg0: i32) -> (i32, i32) {
    %c0_i32 = arith.constant 0 : i32
    %c0_i32_0 = arith.constant 0 : i32
    return %arg0, %c0_i32 : i32, i32
  }
  func.func @transform_2(%arg0: i32) -> (i32, i32) {
    %c0_i32 = arith.constant 0 : i32
    %c0_i32_0 = arith.constant 0 : i32
    return %arg0, %c0_i32 : i32, i32
  }
  func.func @transform_3(%arg0: i32) -> (i32, i32) {
    %c0_i32 = arith.constant 0 : i32
    %c0_i32_0 = arith.constant 0 : i32
    %c0_i32_1 = arith.constant 0 : i32
    return %c0_i32, %c0_i32_0 : i32, i32
  }
  func.func @transform_4(%arg0: i32) -> (i32, i32) {
    %c0_i32 = arith.constant 0 : i32
    %c0_i32_0 = arith.constant 0 : i32
    %c0_i32_1 = arith.constant 0 : i32
    return %c0_i32, %c0_i32_0 : i32, i32
  }
  func.func @transform_5(%arg0: i32) -> (i32, i32) {
    %c0_i32 = arith.constant 0 : i32
    %c0_i32_0 = arith.constant 0 : i32
    %c0_i32_1 = arith.constant 0 : i32
    return %c0_i32, %c0_i32_0 : i32, i32
  }
  func.func @transform_6(%arg0: i32) -> (i32, i32) {
    %c0_i32 = arith.constant 0 : i32
    %c0_i32_0 = arith.constant 0 : i32
    %c0_i32_1 = arith.constant 0 : i32
    return %c0_i32, %c0_i32_0 : i32, i32
  }
}

</mosaic_0001>

<sc_bundles>
// kernel: kernel.11.cloned.1.call-start
scs
__scs_entry_jumppad:
0x0: {  	(pc) =	sbr.rel $0x88, $3  }
0x1: {  	(tag) =	ssettag $0x0;
	lr =	simm.s32 $0x1  }
0x2: {  	[smem:$0x3F97] =	sst lr;
	_ =	strace $0xD0000000  }
0x3: {  	_ = 	snop  }
0x4: {  	_ = 	snop  }
0x5: {  	_ = 	snop  }
0x6: {  	_ = 	snop  }
0x7: {  	_ = 	snop  }
__scs_overlays_trampoline_lowered:
0x8: {  	[smem:$0x3FA6] =	sst s0  }
0x9: {  	[smem:$0x3FA7] =	sst s1  }
0xa: {  	[smem:$0x3FA8] =	sst s2  }
0xb: {  	[smem:$0x3FA9] =	sst s3  }
0xc: {  	[smem:$0x3FAA] =	sst s4  }
0xd: {  	[smem:$0x3FAB] =	sst s5  }
0xe: {  	[smem:$0x3FAC] =	sst s6  }
0xf: {  	[smem:$0x3FAD] =	sst s7  }
0x10: {  	[smem:$0x3FAE] =	sst s8  }
0x11: {  	[smem:$0x3FAF] =	sst s9;
	s0 =	simm.s32 @!p0 $0x0  }
0x12: {  	s1 =	sld [smem:$0x3F95];
	s0 =	simm.s32 @p0 $0x1  }
0x13: {  	[smem:$0x3FB0] =	sst s0;
	s0 =	simm.s32 @!p1 $0x0  }
0x14: {  	s2 =	sld [smem:$0x3F94];
	s0 =	simm.s32 @p1 $0x1  }
0x15: {  	[smem:$0x3FB1] =	sst s0;
	s0 =	simm.s32 @!p2 $0x0  }
0x16: {  	s3 =	sld [smem:$0x3FDB];
	s0 =	simm.s32 @p2 $0x1  }
0x17: {  	s4 =	simm.s32 $0x1BF5;
	[smem:$0x3FB3] =	sst s0  }
0x18: {  	s0 =	sld [smem:$0x3F96];
	_ =	swait.ge [sflag:s4], $0x0  }
0x19: {  	s7 =	sld [smem:$0x3F97]  }
0x1a: {  	s8 =	sadd.s32 $0xFFFFE003, lr  }
0x1b: {  	s9 =	sadd.s32 $0xFFFFFEF7, lr;
	s5 =	simm.s32 $0xFFFFFFFF;
	p2 =	slt.u32 s8, $0xFFFFF086  }
0x1c: {  	p1 =	slt.u32 s9, $0xF7A;
	s5 =	simm.s32 @!p2 $0x0  }
0x1d: {  	s5 =	simm.s32 @p1 $0x1;
	p0 =	seq.s32 s7, s2  }
0x1e: {  	s7 =	smul.u32 @!p0 $0xF7A, s2;
	p2 =	seq.s32 @!p0 s5, $0x0  }
0x1f: {  	s9 =	smul.u32 $0xF7A, s1;
	s8 =	simm.s32 @!p0 $0x1BF5;
	p2 =	por !p2, p0  }
0x20: {  	[sflag:s8] =	ssyncset.s32 @!p0 $0xFFFFF086;
	s6 =	sadd.s32 @!p0 s3, s7;
	s7 =	simm.s32 @!p0 $0x108  }
0x21: {  	s3 =	sadd.s32 s3, s9;
	s6 =	sadd.s32 @!p0 $0x88, s6;
	s7 =	simm.s32 @p2 $0x1082  }
0x22: {  	[simem:s7], [sflag:s8] =	dma.local @!p0 [hbm:s6], $0xF7A  }
0x23: {  	s9 =	sor.u32 $0xD0000000, s2;
	s6 =	simm.s32 $0x108;
	_ =	swait.ge @!p0 [sflag:s8], $0x0  }
0x24: {  	s3 =	sadd.s32 $0x88, s3;
	s6 =	simm.s32 @!p1 $0x1082;
	[sflag:s4] =	ssyncset.s32 $0xFFFFF086  }
0x25: {  	[simem:s6], [sflag:s4] =	dma.local [hbm:s3], $0xF7A  }
0x26: {  	[smem:$0x3F97] =	sst s1;
	(tag) =	ssettag s2;
	_ =	strace s9  }
0x27: {  	s1 =	sld [smem:$0x3FA7]  }
0x28: {  	s2 =	sld [smem:$0x3FA8]  }
0x29: {  	s4 =	sld [smem:$0x3FAA]  }
0x2a: {  	p0 =	seq.s32 s5, $0x0;
	s5 =	sld [smem:$0x3FAB]  }
0x2b: {  	s6 =	sld [smem:$0x3FAC]  }
0x2c: {  	s7 =	sld [smem:$0x3FAD]  }
0x2d: {  	s3 =	simm.s32 $0x108;
	s8 =	sld [smem:$0x3FAE]  }
0x2e: {  	s3 =	simm.s32 @!p0 $0x1082;
	s9 =	sld [smem:$0x3FAF]  }
0x2f: {  	lr =	sadd.s32 s0, s3;
	s0 =	sld [smem:$0x3FA6]  }
0x30: {  	s3 =	sld [smem:$0x3FA9]  }
0x31: {  	[smem:$0x3FB2] =	sst s10  }
0x32: {  	s10 =	sld [smem:$0x3FB0];
	_ =	sdelay $0x3  }
0x33: {  	p0 =	seq.s32 s10, $0x1;
	s10 =	sld [smem:$0x3FB2];
	_ =	sdelay $0x3  }
0x34: {  	[smem:$0x3FB2] =	sst s10  }
0x35: {  	s10 =	sld [smem:$0x3FB1];
	_ =	sdelay $0x3  }
0x36: {  	p1 =	seq.s32 s10, $0x1;
	s10 =	sld [smem:$0x3FB2];
	_ =	sdelay $0x3  }
0x37: {  	[smem:$0x3FB2] =	sst s10  }
0x38: {  	s10 =	sld [smem:$0x3FB3]  }
0x39: {  	_ = 	snop;
	(pc) =	sbr.ind lr, $3  }
0x3a: {  	_ = 	snop  }
0x3b: {  	_ = 	snop  }
0x3c: {  	p2 =	seq.s32 s10, $0x1;
	s10 =	sld [smem:$0x3FB2]  }
0x3d: {  	_ =	shalt  }
0x3e: {  	_ =	shalt  }
0x3f: {  	_ =	shalt  }
0x40: {  	_ =	shalt  }
0x41: {  	_ =	shalt  }
0x42: {  	_ =	shalt  }
0x43: {  	_ =	shalt  }
0x44: {  	_ =	shalt  }
0x45: {  	_ =	shalt  }
0x46: {  	_ =	shalt  }
0x47: {  	_ =	shalt  }
0x48: {  	_ =	shalt  }
0x49: {  	_ =	shalt  }
0x4a: {  	_ =	shalt  }
0x4b: {  	_ =	shalt  }
0x4c: {  	_ =	shalt  }
0x4d: {  	_ =	shalt  }
0x4e: {  	_ =	shalt  }
0x4f: {  	_ =	shalt  }
0x50: {  	_ =	shalt  }
0x51: {  	_ =	shalt  }
0x52: {  	_ =	shalt  }
0x53: {  	_ =	shalt  }
0x54: {  	_ =	shalt  }
0x55: {  	_ =	shalt  }
0x56: {  	_ =	shalt  }
0x57: {  	_ =	shalt  }
0x58: {  	_ =	shalt  }
0x59: {  	_ =	shalt  }
0x5a: {  	_ =	shalt  }
0x5b: {  	_ =	shalt  }
0x5c: {  	_ =	shalt  }
0x5d: {  	_ =	shalt  }
0x5e: {  	_ =	shalt  }
0x5f: {  	_ =	shalt  }
0x60: {  	_ =	shalt  }
0x61: {  	_ =	shalt  }
0x62: {  	_ =	shalt  }
0x63: {  	_ =	shalt  }
0x64: {  	_ =	shalt  }
0x65: {  	_ =	shalt  }
0x66: {  	_ =	shalt  }
0x67: {  	_ =	shalt  }
0x68: {  	_ =	shalt  }
0x69: {  	_ =	shalt  }
0x6a: {  	_ =	shalt  }
0x6b: {  	_ =	shalt  }
0x6c: {  	_ =	shalt  }
0x6d: {  	_ =	shalt  }
0x6e: {  	_ =	shalt  }
0x6f: {  	_ =	shalt  }
0x70: {  	_ =	shalt  }
0x71: {  	_ =	shalt  }
0x72: {  	_ =	shalt  }
0x73: {  	_ =	shalt  }
0x74: {  	_ =	shalt  }
0x75: {  	_ =	shalt  }
0x76: {  	_ =	shalt  }
0x77: {  	_ =	shalt  }
0x78: {  	_ =	shalt  }
0x79: {  	_ =	shalt  }
0x7a: {  	_ =	shalt  }
0x7b: {  	_ =	shalt  }
0x7c: {  	_ =	shalt  }
0x7d: {  	_ =	shalt  }
0x7e: {  	_ =	shalt  }
0x7f: {  	_ =	shalt  }
0x80: {  	_ =	shalt  }
0x81: {  	_ =	shalt  }
0x82: {  	_ =	shalt  }
0x83: {  	_ =	shalt  }
0x84: {  	_ =	shalt  }
0x85: {  	_ =	shalt  }
0x86: {  	_ =	shalt  }
0x87: {  	_ =	shalt  }
.Lfunc_end0:
.L_simem_size_0:
called_computation_lowered:
.L_overlay_start_0:
0x88: {  	s2 =	sld [smem:$0x3FD9]  }
0x89: {  	s3 =	sld [smem:$0x3FFE];
	_ =	sdelay $0x1  }
0x8a: {  	s1 =	srdreg.scid  }
0x8b: {  	s0 =	sand.u32 $0x1, s1  }
0x8c: {  	s16 =	sshll.u32 s0, $0xA;
	s2 =	sadd.s32 s3, s2  }
0x8d: {  	s2 =	sadd.s32 s2, s16  }
0x8e: {  	[smem:$0x3FBE] =	sst s2  }
0x8f: {  	_ = 	snop  }
0x90: {  	(tm) =	ssettm $0x1  }
0x91: {  	s17 =	sld [smem:$0x3FFB];
	_ =	sdelay $0x3  }
0x92: {  	_ =	strace s17  }
0x93: {  	s2 =	sld [smem:$0x3FFC];
	_ =	sdelay $0x3  }
0x94: {  	_ =	strace s2  }
0x95: {  	s2 =	sld [smem:$0x3FFD];
	_ =	sdelay $0x3  }
0x96: {  	_ =	strace s2  }
0x97: {  	_ =	strace $0x8FFFFFFF  }
0x98: {  	s18 =	sld [smem:$0x3FDB];
	_ =	sdelay $0x1  }
0x99: {  	s19 =	simm.s32 $_scs_section_size  }
0x9a: {  	s4 =	simm.s32 $_size__tile_overlayer_lowered;
	s5 =	simm.s32 $_tile_overlayer_lowered  }
0x9b: {  	s22 =	simm.s32 $0x1BFF;
	s21 =	sshll.u32 s5, $0x1;
	s2 =	sadd.s32 s19, s18  }
0x9c: {  	s6 =	simm.s32 $0x0;
	s20 =	sshll.u32 s4, $0x1;
	s4 =	sadd.s32 s21, s2  }
0x9d: {  	[timem:s6], [sflag:s22] =	dma.local [hbm:s4], s20  }
0x9e: {  	_ =	swait.ge [sflag:s22], s20  }
0x9f: {  	s3 =	ssub.s32 $0x0, s20;
	[sflag:s22] =	ssyncset.done $0x0  }
0xa0: {  	[sflag:s22] =	ssyncadd.s32 s3;
	_ =	sdelay $0x1  }
0xa1: {  	s23 =	simm.s32 $0x1B8B  }
0xa2: {  	_ =	swait.ge [sflag:s23], $0x1  }
0xa3: {  	[sflag:s23] =	ssyncset.done $0x0  }
0xa4: {  	s25 =	simm.s32 $0x1B8E;
	s24 =	sld [smem:$0x3FFE];
	[sflag:s23] =	ssyncadd.s32 $0xFFFFFFFF  }
0xa5: {  	s26 =	simm.s32 $execute0_lowered;
	[smem:$0x3FD2] =	sst s25  }
0xa6: {  	s4 =	sshll.u32 s26, $0x1;
	_ =	strace $0x80000046;
	[dreg:$0x1] =	wrdreg $0xFFFFFFFF  }
0xa7: {  	s28 =	simm.s32 $_size_execute0_lowered;
	s2 =	sadd.s32 s2, s4;
	[dreg:$0x0] =	wrdreg $0x0  }
0xa8: {  	s4 =	sshll.u32 s28, $0x1;
	[dreg:$0x2] =	wrdreg s2  }
0xa9: {  	[dreg:$0x3] =	wrdreg s4  }
0xaa: {  	[dreg:$0x4] =	wrdreg $0xC0  }
0xab: {  	_ =	task [dreg:s6], $0x5FFFF  }
0xac: {  	[dreg:$0x1] =	wrdreg $0xFFFFFFFF  }
0xad: {  	[dreg:$0x0] =	wrdreg $0x60  }
0xae: {  	[dreg:$0x2] =	wrdreg s24  }
0xaf: {  	[dreg:$0x3] =	wrdreg $0x0  }
0xb0: {  	[dreg:$0x4] =	wrdreg $0x9  }
0xb1: {  	_ =	task.clear_ibuf [dreg:s6], $0x5FFFF;
	_ =	strace $0x90000046  }
0xb2: {  	s29 =	simm.s32 $0x9;
	_ =	strace $0x80000048  }
0xb3: {  	_ =	swait.ge [sflag:s29], $0x1  }
0xb4: {  	[sflag:s29] =	ssyncadd.s32 $0xFFFFFFFF  }
0xb5: {  	_ =	strace $0x90000048  }
0xb6: {  	_ =	sfence  }
0xb7: {  	s30 =	sld [smem:$0x0];
	_ =	sdelay $0x2  }
0xb8: {  	s31 =	sshll.u32 s1, $0xD;
	s1 =	sshrl.u32 s1, $0x2  }
0xb9: {  	s3 =	sand.u32 $0x4000, s31;
	s1 =	sadd.s32 s1, s30  }
0xba: {  	s0 =	sor.u32 s3, s0;
	s1 =	sshll.u32 s1, $0x11  }
0xbb: {  	s0 =	sor.u32 s1, s0  }
0xbc: {  	s0 =	sadd.s32 $0x8F2B, s0  }
0xbd: {  	[sflag:s0] =	ssyncadd.remote.s32 $0x1  }
0xbe: {  	_ =	sfence.sel $0xFFFF  }
0xbf: {  	[dreg:$0x0] =	wrdreg $0xFFFFFFFF;
	(pc) =	sbr.abs _section_cstart, $3  }
0xc0: {  	[dreg:$0x1] =	wrdreg $0xFFFFFFFF  }
0xc1: {  	_ =	task.clear_ibuf [dreg:s6], $0x2FFFF;
	_ =	strace $0x9FFFFFFF  }
0xc2: {  	(tm) =	ssettm $0x7FFFFFFF  }
0xc3: {  	_ =	shalt  }
tec
execute0_lowered:
.L_overlay_start_1:
0x0: {  	(tag) =	ssettag $0x1  }
0x1: {  	s1 =	srdreg.scid;
	s4 =	rddreg [dreg:$0x0]  }
0x2: {  	s0 =	stileid.u32;
	s2 =	rddreg [dreg:$0x1];
	s3 =	simm.s32 $0x0  }
0x3: {  	s12 =	simm.s32 $0x2A80;
	s15 =	simm.s32 $0x10;
	s16 =	simm.s32 $0x0  }
0x4: {  	s5 =	sand.u32 $0x1, s1;
	s29 =	sshll.u32 s0, $0x1;
	s1 =	rddreg [dreg:$0x2]  }
0x5: {  	[smem:$0x7FF] =	sst s3;
	s7 =	smul.u32 $0x280, s0;
	s31 =	sshll.u32 s0, $0x6  }
0x6: {  	s14 =	smul.u32 $0xA0, s0;
	s6 =	sor.u32 s5, s29;
	_ =	strace $0x80000047  }
0x7: {  	s9 =	sshll.u32 s5, $0x4;
	s5 =	ssub.s32 $0x2, s5;
	s6 =	smul.u32 $0x500, s6  }
0x8: {  	s8 =	sshrl.u32 s7, $0x3;
	s9 =	sadd.s32 s9, s4;
	s30 =	sshrl.u32 s5, $0x1  }
0x9: {  	s11 =	sadd.s32 s7, s2;
	s8 =	sadd.s32 s8, s4;
	s10 =	ssub.s32 s5, s30  }
0xa: {  	s5 =	sor.u32 $0x1C01, s31;
	s13 =	sadd.s32 $0x17000, s9;
	s9 =	simm.s32 $0x1  }
0xb: {  	s6 =	sadd.s32 s6, s4;
	s4 =	sadd.s32 $0x16A00, s8;
	s7 =	smax.u32 s10, $0x1  }
0xc: {  	s8 =	sshrl.u32 s11, $0x3;
	s10 =	simm.s32 $0x280;
	s11 =	simm.s32 $0x80  }
0xd: {  	v0 =	vimm.f32 $1.000000000e+00;
	s13 =	sadd.s32 s14, s13;
	s14 =	simm.s32 $0x20;
	s6 =	sadd.s32 $0xCA00, s6  }
.LBB2_1:
0xe: {  	[spmem:s8], [sflag:s5] =	dma.local [hbm:s4], $0x50  }
0xf: {  	_ =	swait.ge [sflag:s9], $0x50  }
0x10: {  	[sflag:s9] =	ssyncset.done $0x0  }
0x11: {  	[sflag:s9] =	ssyncadd.s32 $0xFFFFFFB0  }
0x12: {  	[tilespmem:s10], [sflag:$0x1] =	stream.linear.gather [hbm4b:s6+s3], $0x2800, $0x38;
	[tilespmem:$0x2B00] =	vst v63  }
0x13: {  	_ =	swait.ge [sflag:s9], $0x2800  }
0x14: {  	[sflag:s9] =	ssyncset.done $0x0  }
0x15: {  	[sflag:s9] =	ssyncadd.s32 $0xFFFFD800  }
0x16: {  	[tilespmem:$0x2A80] =	vst v0  }
0x17: {  	[tilespmem:$0x2A90] =	vst v0  }
0x18: {  	[tilespmem:$0x2AA0] =	vst v0  }
0x19: {  	[tilespmem:$0x2AB0] =	vst v0  }
0x1a: {  	[tilespmem:$0x2AC0] =	vst v0  }
0x1b: {  	[tilespmem:$0x2AD0] =	vst v0  }
0x1c: {  	[tilespmem:$0x2AE0] =	vst v0  }
0x1d: {  	[tilespmem:$0x2AF0] =	vst v0  }
0x1e: {  	s17 =	simm.s32 $0x280;
	[bflag:$0x0] =	sbarrier.arrive $0xFFFF  }
0x1f: {  	[spmem:s2] =	stream.indirect.scatter.add.f32 [tilespmem:s12], [sflag:$0x1], $0x1, s17, s11, $0xb8;
	[tilespmem:$0x2B00] =	vst v63  }
0x20: {  	s17 =	simm.s32 $0x200;
	_ =	swait.ge [sflag:s9], $0x80  }
.LBB2_2:
0x21: {  	s18 =	sshra.s32 s17, $0x2;
	[sflag:s9] =	ssyncset.done $0x0;
	p0 =	sne.s32 s17, $0x9E00  }
.Ltmp0:
0x22: {  	s18 =	sadd.s32 $0x280, s18;
	[sflag:s9] =	ssyncadd.s32 $0xFFFFFF80;
	(pc) =	sbr.rel @p0 .LBB2_2-.Ltmp0, $3  }
0x23: {  	[spmem:s2] =	stream.indirect.scatter.add.f32 [tilespmem:s12], [sflag:$0x1], $0x1, s18, s11, $0xb8;
	[tilespmem:$0x2B00] =	vst v63  }
0x24: {  	s17 =	sadd.s32 $0x200, s17;
	_ =	sdelay $0x1  }
0x25: {  	_ =	swait.ge [sflag:s9], $0x80  }
0x26: {  	[sflag:s9] =	ssyncset.done $0x0;
	s16 =	sadd.s32 $0x1, s16  }
0x27: {  	[sflag:s9] =	ssyncadd.s32 $0xFFFFFF80;
	p0 =	sne.s32 s16, s7  }
.Ltmp1:
0x28: {  	[bflag:$0x0] =	sbarrier.arrive $0xFFFF;
	(pc) =	sbr.rel @p0 .LBB2_1-.Ltmp1, $4  }
0x29: {  	[hbm:s13@s14], [sflag:s5] =	dma.strided [spmem:s8@s15], $0x50, s9, $0x10   }
0x2a: {  	_ =	swait.ge [sflag:s9], $0x50  }
0x2b: {  	[sflag:s9] =	ssyncset.done $0x0  }
0x2c: {  	[sflag:s9] =	ssyncadd.s32 $0xFFFFFFB0  }
0x2d: {  	_ =	sfence.sel $0x180000  }
0x2e: {  	[bflag:$0x0] =	sbarrier.arrive $0xFFFF  }
0x2f: {  	p0 =	sne.s32 s0, $0x0;
	_ =	strace $0x90000047  }
0x30: {  	s0 =	sadd.s32 @!p0 $0x100000, s1;
	[bflag:$0x2] =	sbarrier.arrive $0xFFFF  }
0x31: {  	[sflag:s0] =	ssyncadd.tile.s32 @!p0 $0x1;
	_ =	shalt  }
.Lfunc_end2:
_tile_overlayer_lowered:
.L_overlay_start_2:
0x32: {  	(tag) =	ssettag $0x2  }
0x33: {  	s0 =	rddreg [dreg:$0x0];
	s2 =	stileid.u32  }
0x34: {  	s1 =	rddreg [dreg:$0x1];
	p0 =	sne.s32 s2, $0x0  }
0x35: {  	s3 =	rddreg [dreg:$0x2];
	[bflag:$0x3] =	sbarrier.arrive $0xFFFF;
	s2 =	simm.s32 @!p0 $0x1C01  }
0x36: {  	[timem:s3], [sflag:s2] =	dma.local @!p0 [hbm:s0], s1  }
0x37: {  	s0 =	simm.s32 @!p0 $0x1  }
0x38: {  	_ =	swait.ge @!p0 [sflag:s0], s1  }
0x39: {  	s1 =	ssub.s32 @!p0 $0x0, s1;
	[sflag:s0] =	ssyncset.done @!p0 $0x0  }
0x3a: {  	[sflag:s0] =	ssyncadd.s32 @!p0 s1  }
0x3b: {  	[bflag:$0x3] =	sbarrier.arrive $0xFFFF  }
0x3c: {  	_ =	shalt  }

// kernel: kernel.14.cloned.1.call-start
scs
__scs_entry_jumppad:
0x0: {  	(pc) =	sbr.rel $0x88, $3  }
0x1: {  	(tag) =	ssettag $0x0;
	lr =	simm.s32 $0x1  }
0x2: {  	[smem:$0x3F97] =	sst lr;
	_ =	strace $0xD0000000  }
0x3: {  	_ = 	snop  }
0x4: {  	_ = 	snop  }
0x5: {  	_ = 	snop  }
0x6: {  	_ = 	snop  }
0x7: {  	_ = 	snop  }
__scs_overlays_trampoline_lowered:
0x8: {  	[smem:$0x3FA6] =	sst s0  }
0x9: {  	[smem:$0x3FA7] =	sst s1  }
0xa: {  	[smem:$0x3FA8] =	sst s2  }
0xb: {  	[smem:$0x3FA9] =	sst s3  }
0xc: {  	[smem:$0x3FAA] =	sst s4  }
0xd: {  	[smem:$0x3FAB] =	sst s5  }
0xe: {  	[smem:$0x3FAC] =	sst s6  }
0xf: {  	[smem:$0x3FAD] =	sst s7  }
0x10: {  	[smem:$0x3FAE] =	sst s8  }
0x11: {  	[smem:$0x3FAF] =	sst s9;
	s0 =	simm.s32 @!p0 $0x0  }
0x12: {  	s1 =	sld [smem:$0x3F95];
	s0 =	simm.s32 @p0 $0x1  }
0x13: {  	[smem:$0x3FB0] =	sst s0;
	s0 =	simm.s32 @!p1 $0x0  }
0x14: {  	s2 =	sld [smem:$0x3F94];
	s0 =	simm.s32 @p1 $0x1  }
0x15: {  	[smem:$0x3FB1] =	sst s0;
	s0 =	simm.s32 @!p2 $0x0  }
0x16: {  	s3 =	sld [smem:$0x3FDB];
	s0 =	simm.s32 @p2 $0x1  }
0x17: {  	s4 =	simm.s32 $0x1BF5;
	[smem:$0x3FB3] =	sst s0  }
0x18: {  	s0 =	sld [smem:$0x3F96];
	_ =	swait.ge [sflag:s4], $0x0  }
0x19: {  	s7 =	sld [smem:$0x3F97]  }
0x1a: {  	s8 =	sadd.s32 $0xFFFFE003, lr  }
0x1b: {  	s9 =	sadd.s32 $0xFFFFFEF7, lr;
	s5 =	simm.s32 $0xFFFFFFFF;
	p2 =	slt.u32 s8, $0xFFFFF086  }
0x1c: {  	p1 =	slt.u32 s9, $0xF7A;
	s5 =	simm.s32 @!p2 $0x0  }
0x1d: {  	s5 =	simm.s32 @p1 $0x1;
	p0 =	seq.s32 s7, s2  }
0x1e: {  	s7 =	smul.u32 @!p0 $0xF7A, s2;
	p2 =	seq.s32 @!p0 s5, $0x0  }
0x1f: {  	s9 =	smul.u32 $0xF7A, s1;
	s8 =	simm.s32 @!p0 $0x1BF5;
	p2 =	por !p2, p0  }
0x20: {  	[sflag:s8] =	ssyncset.s32 @!p0 $0xFFFFF086;
	s6 =	sadd.s32 @!p0 s3, s7;
	s7 =	simm.s32 @!p0 $0x108  }
0x21: {  	s3 =	sadd.s32 s3, s9;
	s6 =	sadd.s32 @!p0 $0x88, s6;
	s7 =	simm.s32 @p2 $0x1082  }
0x22: {  	[simem:s7], [sflag:s8] =	dma.local @!p0 [hbm:s6], $0xF7A  }
0x23: {  	s9 =	sor.u32 $0xD0000000, s2;
	s6 =	simm.s32 $0x108;
	_ =	swait.ge @!p0 [sflag:s8], $0x0  }
0x24: {  	s3 =	sadd.s32 $0x88, s3;
	s6 =	simm.s32 @!p1 $0x1082;
	[sflag:s4] =	ssyncset.s32 $0xFFFFF086  }
0x25: {  	[simem:s6], [sflag:s4] =	dma.local [hbm:s3], $0xF7A  }
0x26: {  	[smem:$0x3F97] =	sst s1;
	(tag) =	ssettag s2;
	_ =	strace s9  }
0x27: {  	s1 =	sld [smem:$0x3FA7]  }
0x28: {  	s2 =	sld [smem:$0x3FA8]  }
0x29: {  	s4 =	sld [smem:$0x3FAA]  }
0x2a: {  	p0 =	seq.s32 s5, $0x0;
	s5 =	sld [smem:$0x3FAB]  }
0x2b: {  	s6 =	sld [smem:$0x3FAC]  }
0x2c: {  	s7 =	sld [smem:$0x3FAD]  }
0x2d: {  	s3 =	simm.s32 $0x108;
	s8 =	sld [smem:$0x3FAE]  }
0x2e: {  	s3 =	simm.s32 @!p0 $0x1082;
	s9 =	sld [smem:$0x3FAF]  }
0x2f: {  	lr =	sadd.s32 s0, s3;
	s0 =	sld [smem:$0x3FA6]  }
0x30: {  	s3 =	sld [smem:$0x3FA9]  }
0x31: {  	[smem:$0x3FB2] =	sst s10  }
0x32: {  	s10 =	sld [smem:$0x3FB0];
	_ =	sdelay $0x3  }
0x33: {  	p0 =	seq.s32 s10, $0x1;
	s10 =	sld [smem:$0x3FB2];
	_ =	sdelay $0x3  }
0x34: {  	[smem:$0x3FB2] =	sst s10  }
0x35: {  	s10 =	sld [smem:$0x3FB1];
	_ =	sdelay $0x3  }
0x36: {  	p1 =	seq.s32 s10, $0x1;
	s10 =	sld [smem:$0x3FB2];
	_ =	sdelay $0x3  }
0x37: {  	[smem:$0x3FB2] =	sst s10  }
0x38: {  	s10 =	sld [smem:$0x3FB3]  }
0x39: {  	_ = 	snop;
	(pc) =	sbr.ind lr, $3  }
0x3a: {  	_ = 	snop  }
0x3b: {  	_ = 	snop  }
0x3c: {  	p2 =	seq.s32 s10, $0x1;
	s10 =	sld [smem:$0x3FB2]  }
0x3d: {  	_ =	shalt  }
0x3e: {  	_ =	shalt  }
0x3f: {  	_ =	shalt  }
0x40: {  	_ =	shalt  }
0x41: {  	_ =	shalt  }
0x42: {  	_ =	shalt  }
0x43: {  	_ =	shalt  }
0x44: {  	_ =	shalt  }
0x45: {  	_ =	shalt  }
0x46: {  	_ =	shalt  }
0x47: {  	_ =	shalt  }
0x48: {  	_ =	shalt  }
0x49: {  	_ =	shalt  }
0x4a: {  	_ =	shalt  }
0x4b: {  	_ =	shalt  }
0x4c: {  	_ =	shalt  }
0x4d: {  	_ =	shalt  }
0x4e: {  	_ =	shalt  }
0x4f: {  	_ =	shalt  }
0x50: {  	_ =	shalt  }
0x51: {  	_ =	shalt  }
0x52: {  	_ =	shalt  }
0x53: {  	_ =	shalt  }
0x54: {  	_ =	shalt  }
0x55: {  	_ =	shalt  }
0x56: {  	_ =	shalt  }
0x57: {  	_ =	shalt  }
0x58: {  	_ =	shalt  }
0x59: {  	_ =	shalt  }
0x5a: {  	_ =	shalt  }
0x5b: {  	_ =	shalt  }
0x5c: {  	_ =	shalt  }
0x5d: {  	_ =	shalt  }
0x5e: {  	_ =	shalt  }
0x5f: {  	_ =	shalt  }
0x60: {  	_ =	shalt  }
0x61: {  	_ =	shalt  }
0x62: {  	_ =	shalt  }
0x63: {  	_ =	shalt  }
0x64: {  	_ =	shalt  }
0x65: {  	_ =	shalt  }
0x66: {  	_ =	shalt  }
0x67: {  	_ =	shalt  }
0x68: {  	_ =	shalt  }
0x69: {  	_ =	shalt  }
0x6a: {  	_ =	shalt  }
0x6b: {  	_ =	shalt  }
0x6c: {  	_ =	shalt  }
0x6d: {  	_ =	shalt  }
0x6e: {  	_ =	shalt  }
0x6f: {  	_ =	shalt  }
0x70: {  	_ =	shalt  }
0x71: {  	_ =	shalt  }
0x72: {  	_ =	shalt  }
0x73: {  	_ =	shalt  }
0x74: {  	_ =	shalt  }
0x75: {  	_ =	shalt  }
0x76: {  	_ =	shalt  }
0x77: {  	_ =	shalt  }
0x78: {  	_ =	shalt  }
0x79: {  	_ =	shalt  }
0x7a: {  	_ =	shalt  }
0x7b: {  	_ =	shalt  }
0x7c: {  	_ =	shalt  }
0x7d: {  	_ =	shalt  }
0x7e: {  	_ =	shalt  }
0x7f: {  	_ =	shalt  }
0x80: {  	_ =	shalt  }
0x81: {  	_ =	shalt  }
0x82: {  	_ =	shalt  }
0x83: {  	_ =	shalt  }
0x84: {  	_ =	shalt  }
0x85: {  	_ =	shalt  }
0x86: {  	_ =	shalt  }
0x87: {  	_ =	shalt  }
.Lfunc_end0:
.L_simem_size_0:
called_computation.1_lowered:
.L_overlay_start_0:
0x88: {  	s2 =	sld [smem:$0x3FD9]  }
0x89: {  	s3 =	sld [smem:$0x3FFE];
	_ =	sdelay $0x1  }
0x8a: {  	s1 =	srdreg.scid  }
0x8b: {  	s0 =	sand.u32 $0x1, s1  }
0x8c: {  	s16 =	sshll.u32 s0, $0xA;
	s2 =	sadd.s32 s3, s2  }
0x8d: {  	s2 =	sadd.s32 s2, s16  }
0x8e: {  	[smem:$0x3FBE] =	sst s2  }
0x8f: {  	_ = 	snop  }
0x90: {  	(tm) =	ssettm $0x1  }
0x91: {  	s17 =	sld [smem:$0x3FFB];
	_ =	sdelay $0x3  }
0x92: {  	_ =	strace s17  }
0x93: {  	s2 =	sld [smem:$0x3FFC];
	_ =	sdelay $0x3  }
0x94: {  	_ =	strace s2  }
0x95: {  	s2 =	sld [smem:$0x3FFD];
	_ =	sdelay $0x3  }
0x96: {  	_ =	strace s2  }
0x97: {  	_ =	strace $0x8FFFFFFF  }
0x98: {  	s18 =	sld [smem:$0x3FDB];
	_ =	sdelay $0x1  }
0x99: {  	s19 =	simm.s32 $_scs_section_size  }
0x9a: {  	s4 =	simm.s32 $_size__tile_overlayer_lowered;
	s5 =	simm.s32 $_tile_overlayer_lowered  }
0x9b: {  	s22 =	simm.s32 $0x1BFF;
	s21 =	sshll.u32 s5, $0x1;
	s2 =	sadd.s32 s19, s18  }
0x9c: {  	s6 =	simm.s32 $0x0;
	s20 =	sshll.u32 s4, $0x1;
	s4 =	sadd.s32 s21, s2  }
0x9d: {  	[timem:s6], [sflag:s22] =	dma.local [hbm:s4], s20  }
0x9e: {  	_ =	swait.ge [sflag:s22], s20  }
0x9f: {  	s3 =	ssub.s32 $0x0, s20;
	[sflag:s22] =	ssyncset.done $0x0  }
0xa0: {  	[sflag:s22] =	ssyncadd.s32 s3;
	_ =	sdelay $0x1  }
0xa1: {  	s23 =	simm.s32 $0x1B8B  }
0xa2: {  	_ =	swait.ge [sflag:s23], $0x1  }
0xa3: {  	[sflag:s23] =	ssyncset.done $0x0  }
0xa4: {  	s25 =	simm.s32 $0x1B8E;
	s24 =	sld [smem:$0x3FFE];
	[sflag:s23] =	ssyncadd.s32 $0xFFFFFFFF  }
0xa5: {  	s26 =	simm.s32 $execute0_lowered;
	[smem:$0x3FD2] =	sst s25  }
0xa6: {  	s4 =	sshll.u32 s26, $0x1;
	_ =	strace $0x80000049;
	[dreg:$0x1] =	wrdreg $0xFFFFFFFF  }
0xa7: {  	s28 =	simm.s32 $_size_execute0_lowered;
	s2 =	sadd.s32 s2, s4;
	[dreg:$0x0] =	wrdreg $0x0  }
0xa8: {  	s4 =	sshll.u32 s28, $0x1;
	[dreg:$0x2] =	wrdreg s2  }
0xa9: {  	[dreg:$0x3] =	wrdreg s4  }
0xaa: {  	[dreg:$0x4] =	wrdreg $0xC0  }
0xab: {  	_ =	task [dreg:s6], $0x5FFFF  }
0xac: {  	[dreg:$0x1] =	wrdreg $0xFFFFFFFF  }
0xad: {  	[dreg:$0x0] =	wrdreg $0x60  }
0xae: {  	[dreg:$0x2] =	wrdreg s24  }
0xaf: {  	[dreg:$0x3] =	wrdreg $0x0  }
0xb0: {  	[dreg:$0x4] =	wrdreg $0x9  }
0xb1: {  	_ =	task.clear_ibuf [dreg:s6], $0x5FFFF;
	_ =	strace $0x90000049  }
0xb2: {  	s29 =	simm.s32 $0x9;
	_ =	strace $0x8000004B  }
0xb3: {  	_ =	swait.ge [sflag:s29], $0x1  }
0xb4: {  	[sflag:s29] =	ssyncadd.s32 $0xFFFFFFFF  }
0xb5: {  	_ =	strace $0x9000004B  }
0xb6: {  	_ =	sfence  }
0xb7: {  	s30 =	sld [smem:$0x0];
	_ =	sdelay $0x2  }
0xb8: {  	s31 =	sshll.u32 s1, $0xD;
	s1 =	sshrl.u32 s1, $0x2  }
0xb9: {  	s3 =	sand.u32 $0x4000, s31;
	s1 =	sadd.s32 s1, s30  }
0xba: {  	s0 =	sor.u32 s3, s0;
	s1 =	sshll.u32 s1, $0x11  }
0xbb: {  	s0 =	sor.u32 s1, s0  }
0xbc: {  	s0 =	sadd.s32 $0x8F2B, s0  }
0xbd: {  	[sflag:s0] =	ssyncadd.remote.s32 $0x1  }
0xbe: {  	_ =	sfence.sel $0xFFFF  }
0xbf: {  	[dreg:$0x0] =	wrdreg $0xFFFFFFFF;
	(pc) =	sbr.abs _section_cstart, $3  }
0xc0: {  	[dreg:$0x1] =	wrdreg $0xFFFFFFFF  }
0xc1: {  	_ =	task.clear_ibuf [dreg:s6], $0x2FFFF;
	_ =	strace $0x9FFFFFFF  }
0xc2: {  	(tm) =	ssettm $0x7FFFFFFF  }
0xc3: {  	_ =	shalt  }
tec
execute0_lowered:
.L_overlay_start_1:
0x0: {  	(tag) =	ssettag $0x1  }
0x1: {  	s6 =	rddreg [dreg:$0x0]  }
0x2: {  	s1 =	srdreg.scid;
	s0 =	stileid.u32  }
0x3: {  	s2 =	rddreg [dreg:$0x1];
	s3 =	simm.s32 $0x0;
	s16 =	simm.s32 $0x14000  }
0x4: {  	s17 =	simm.s32 $0x80;
	s18 =	simm.s32 $0x16900;
	s19 =	simm.s32 $0x16800  }
0x5: {  	s20 =	simm.s32 $0x1A900;
	s21 =	simm.s32 $0x16880;
	s22 =	simm.s32 $0x1  }
0x6: {  	s23 =	simm.s32 $0x2;
	s26 =	simm.s32 $0x0;
	s12 =	smul.u32 $0x50000, s0  }
0x7: {  	s7 =	sand.u32 $0x1, s1;
	s4 =	sshll.u32 s0, $0x1;
	s24 =	smul.u32 $0x2800, s0  }
0x8: {  	[smem:$0x7FF] =	sst s3;
	s5 =	sadd.s32 $0xCA00, s6;
	s28 =	smul.u32 $0xA00, s0  }
0x9: {  	s30 =	sshll.u32 s0, $0x6;
	s4 =	sor.u32 s7, s4;
	s8 =	smul.u32 $0x28000, s7  }
0xa: {  	_ =	strace $0x8000004A;
	s11 =	ssub.s32 $0x2, s7;
	s31 =	smul.u32 $0x500, s7  }
0xb: {  	s7 =	sor.u32 $0x1C03, s30;
	s9 =	smul.u32 $0x500, s4;
	s4 =	sadd.s32 $0x65400, s6  }
0xc: {  	s13 =	sshrl.u32 s11, $0x1;
	s29 =	sshrl.u32 s12, $0x2;
	s14 =	sadd.s32 s8, s6  }
0xd: {  	s11 =	ssub.s32 s11, s13;
	s15 =	sadd.s32 s29, s2;
	s10 =	sadd.s32 s9, s6  }
0xe: {  	s6 =	sadd.s32 s4, s24;
	s9 =	sadd.s32 s5, s9;
	s25 =	sadd.s32 $0x8D400, s14  }
0xf: {  	s11 =	smax.u32 s11, $0x1;
	s8 =	sadd.s32 $0x2A00, s10;
	s10 =	sadd.s32 s31, s28  }
0x10: {  	s14 =	sshrl.u32 s15, $0x3;
	s15 =	simm.s32 $0x3;
	s13 =	sadd.s32 s5, s10  }
0x11: {  	s12 =	sadd.s32 $0x4F0, s9;
	s24 =	sadd.s32 s24, s25;
	s13 =	sadd.s32 $0x20, s13  }
.LBB2_1:
0x12: {  	[spmem:s14], [sflag:s7] =	dma.local [hbm:s6], $0x2800  }
0x13: {  	_ =	swait.ge [sflag:s15], $0x2800  }
0x14: {  	[sflag:s15] =	ssyncset.done $0x0  }
0x15: {  	[sflag:s15] =	ssyncadd.s32 $0xFFFFD800  }
0x16: {  	[tilespmem:s16], [sflag:$0x3] =	stream.linear.gather [hbm4b:s8+s3], $0x2800, $0x38;
	[tilespmem:$0x1E900] =	vst v63  }
0x17: {  	_ =	swait.ge [sflag:s15], $0x2800  }
0x18: {  	[sflag:s15] =	ssyncset.done $0x0  }
0x19: {  	[sflag:s15] =	ssyncadd.s32 $0xFFFFD800  }
0x1a: {  	[bflag:$0x0] =	sbarrier.arrive $0xFFFF  }
0x1b: {  	[tilespmem:s18], [sflag:$0x1] =	stream.indirect.gather [hbm4b:s4+s17], $0x80, s16, s17, $0xb8;
	[tilespmem:$0x1E900] =	vst v63  }
0x1c: {  	_ = 	snop  }
0x1d: {  	[tilespmem:s19], [sflag:$0x3] =	stream.linear.gather [hbm4b:s9+s3], $0x80, $0x38;
	[tilespmem:$0x1E900] =	vst v63  }
0x1e: {  	s28 =	simm.s32 $0x10;
	s29 =	sadd.s32 $0x0, s10;
	_ =	swait.ge [sflag:s15], $0x80  }
0x1f: {  	s30 =	simm.s32 $0x14080;
	s28 =	sand.u32 $0x70, s28;
	[sflag:s15] =	ssyncset.done $0x0  }
0x20: {  	s29 =	sand.u32 $0xFFFFF80, s29;
	s28 =	sadd.s32 s5, s28;
	[sflag:s15] =	ssyncadd.s32 $0xFFFFFF80  }
0x21: {  	[tilespmem:s20], [sflag:$0x2] =	stream.indirect.gather [hbm4b:s4+s17], $0x80, s30, s17, $0xb8;
	[tilespmem:$0x1E900] =	vst v63  }
0x22: {  	s28 =	sadd.s32 s29, s28  }
0x23: {  	[tilespmem:s21], [sflag:$0x3] =	stream.linear.gather [hbm4b:s28+s3], $0x80, $0x38;
	[tilespmem:$0x1E900] =	vst v63  }
0x24: {  	_ =	swait.ge [sflag:s15], $0x80  }
0x25: {  	[sflag:s15] =	ssyncset.done $0x0  }
0x26: {  	[sflag:s15] =	ssyncadd.s32 $0xFFFFFF80  }
0x27: {  	_ =	swait.ge [sflag:s22], $0x4000  }
0x28: {  	[sflag:s22] =	ssyncset.done $0x0  }
0x29: {  	[sflag:s22] =	ssyncadd.s32 $0xFFFFC000  }
0x2a: {  	[spmem:s2] =	stream.indirect.scatter.add.f32 [tilespmem:s18], [sflag:$0x3], $0x80, s19, s17, $0xb8;
	[tilespmem:$0x1E900] =	vst v63  }
0x2b: {  	_ =	swait.ge [sflag:s15], $0x4000  }
0x2c: {  	[sflag:s15] =	ssyncset.done $0x0  }
0x2d: {  	s28 =	simm.s32 $0x14100;
	[sflag:s15] =	ssyncadd.s32 $0xFFFFC000  }
0x2e: {  	[tilespmem:s18], [sflag:$0x1] =	stream.indirect.gather [hbm4b:s4+s17], $0x80, s28, s17, $0xb8;
	[tilespmem:$0x1E900] =	vst v63  }
0x2f: {  	s28 =	sadd.s32 $0x0, s13  }
0x30: {  	[tilespmem:s19], [sflag:$0x3] =	stream.linear.gather [hbm4b:s28+s3], $0x80, $0x38;
	[tilespmem:$0x1E900] =	vst v63  }
0x31: {  	_ =	swait.ge [sflag:s15], $0x80  }
0x32: {  	[sflag:s15] =	ssyncset.done $0x0  }
0x33: {  	[sflag:s15] =	ssyncadd.s32 $0xFFFFFF80  }
0x34: {  	_ =	swait.ge [sflag:s23], $0x4000  }
0x35: {  	s31 =	simm.s32 $0x30;
	s29 =	simm.s32 $0x14180;
	[sflag:s23] =	ssyncset.done $0x0  }
0x36: {  	s30 =	simm.s32 $0x40;
	s28 =	simm.s32 $0x20;
	[sflag:s23] =	ssyncadd.s32 $0xFFFFC000  }
0x37: {  	[spmem:s2] =	stream.indirect.scatter.add.f32 [tilespmem:s20], [sflag:$0x3], $0x80, s21, s17, $0xb8;
	[tilespmem:$0x1E900] =	vst v63  }
.LBB2_2:
0x38: {  	s1 =	sadd.s32 s28, s10  }
0x39: {  	s31 =	sand.u32 $0x70, s31;
	_ =	swait.ge [sflag:s15], $0x4000;
	s0 =	smov.u32 s30  }
0x3a: {  	s1 =	sand.u32 $0xFFFFF80, s1;
	s31 =	sadd.s32 s5, s31;
	[sflag:s15] =	ssyncset.done $0x0  }
0x3b: {  	s25 =	sadd.s32 $0x20, s30;
	s1 =	sadd.s32 s1, s31;
	[sflag:s15] =	ssyncadd.s32 $0xFFFFC000  }
0x3c: {  	[tilespmem:s20], [sflag:$0x2] =	stream.indirect.gather [hbm4b:s4+s17], $0x80, s29, s17, $0xb8;
	[tilespmem:$0x1E900] =	vst v63  }
0x3d: {  	p0 =	sne.s32 s30, $0x4C0  }
0x3e: {  	[tilespmem:s21], [sflag:$0x3] =	stream.linear.gather [hbm4b:s1+s3], $0x80, $0x38;
	[tilespmem:$0x1E900] =	vst v63  }
0x3f: {  	_ =	swait.ge [sflag:s15], $0x80  }
0x40: {  	[sflag:s15] =	ssyncset.done $0x0  }
0x41: {  	[sflag:s15] =	ssyncadd.s32 $0xFFFFFF80  }
0x42: {  	_ =	swait.ge [sflag:s22], $0x4000  }
0x43: {  	[sflag:s22] =	ssyncset.done $0x0  }
0x44: {  	[sflag:s22] =	ssyncadd.s32 $0xFFFFC000  }
0x45: {  	[spmem:s2] =	stream.indirect.scatter.add.f32 [tilespmem:s18], [sflag:$0x3], $0x80, s19, s17, $0xb8;
	[tilespmem:$0x1E900] =	vst v63  }
0x46: {  	s1 =	sadd.s32 $0x80, s29;
	_ =	swait.ge [sflag:s15], $0x4000  }
0x47: {  	[sflag:s15] =	ssyncset.done $0x0  }
0x48: {  	s30 =	sadd.s32 s28, s13;
	s28 =	smov.u32 s0;
	[sflag:s15] =	ssyncadd.s32 $0xFFFFC000  }
0x49: {  	[tilespmem:s18], [sflag:$0x1] =	stream.indirect.gather [hbm4b:s4+s17], $0x80, s1, s17, $0xb8;
	[tilespmem:$0x1E900] =	vst v63  }
0x4a: {  	_ = 	snop  }
0x4b: {  	[tilespmem:s19], [sflag:$0x3] =	stream.linear.gather [hbm4b:s30+s3], $0x80, $0x38;
	[tilespmem:$0x1E900] =	vst v63  }
0x4c: {  	_ =	swait.ge [sflag:s15], $0x80  }
0x4d: {  	[sflag:s15] =	ssyncset.done $0x0  }
.Ltmp0:
0x4e: {  	[sflag:s15] =	ssyncadd.s32 $0xFFFFFF80;
	(pc) =	sbr.rel @p0 .LBB2_2-.Ltmp0, $4  }
0x4f: {  	_ =	swait.ge [sflag:s23], $0x4000  }
0x50: {  	s31 =	sadd.s32 $0x10, s28;
	[sflag:s23] =	ssyncset.done $0x0  }
0x51: {  	s29 =	sadd.s32 $0x100, s29;
	s30 =	smov.u32 s25;
	[sflag:s23] =	ssyncadd.s32 $0xFFFFC000  }
0x52: {  	[spmem:s2] =	stream.indirect.scatter.add.f32 [tilespmem:s20], [sflag:$0x3], $0x80, s21, s17, $0xb8;
	[tilespmem:$0x1E900] =	vst v63  }
0x53: {  	_ =	swait.ge [sflag:s15], $0x4000  }
0x54: {  	s0 =	sadd.s32 s28, s10;
	s1 =	sand.u32 $0x70, s31;
	[sflag:s15] =	ssyncset.done $0x0  }
0x55: {  	s0 =	sand.u32 $0xFFFFF80, s0;
	s1 =	sadd.s32 s5, s1;
	[sflag:s15] =	ssyncadd.s32 $0xFFFFC000  }
0x56: {  	[tilespmem:s20], [sflag:$0x2] =	stream.indirect.gather [hbm4b:s4+s17], $0x80, s29, s17, $0xb8;
	[tilespmem:$0x1E900] =	vst v63  }
0x57: {  	s0 =	sadd.s32 s0, s1  }
0x58: {  	[tilespmem:s21], [sflag:$0x3] =	stream.linear.gather [hbm4b:s0+s3], $0x80, $0x38;
	[tilespmem:$0x1E900] =	vst v63  }
0x59: {  	_ =	swait.ge [sflag:s15], $0x80  }
0x5a: {  	[sflag:s15] =	ssyncset.done $0x0  }
0x5b: {  	[sflag:s15] =	ssyncadd.s32 $0xFFFFFF80  }
0x5c: {  	_ =	swait.ge [sflag:s22], $0x4000  }
0x5d: {  	[sflag:s22] =	ssyncset.done $0x0  }
0x5e: {  	[sflag:s22] =	ssyncadd.s32 $0xFFFFC000  }
0x5f: {  	[spmem:s2] =	stream.indirect.scatter.add.f32 [tilespmem:s18], [sflag:$0x3], $0x80, s19, s17, $0xb8;
	[tilespmem:$0x1E900] =	vst v63  }
0x60: {  	_ =	swait.ge [sflag:s15], $0x4000  }
0x61: {  	[sflag:s15] =	ssyncset.done $0x0  }
0x62: {  	s29 =	sadd.s32 $0x80, s29;
	[sflag:s15] =	ssyncadd.s32 $0xFFFFC000  }
0x63: {  	[tilespmem:s18], [sflag:$0x1] =	stream.indirect.gather [hbm4b:s4+s17], $0x80, s29, s17, $0xb8;
	[tilespmem:$0x1E900] =	vst v63  }
0x64: {  	s30 =	sadd.s32 s28, s13  }
0x65: {  	[tilespmem:s19], [sflag:$0x3] =	stream.linear.gather [hbm4b:s30+s3], $0x80, $0x38;
	[tilespmem:$0x1E900] =	vst v63  }
0x66: {  	_ =	swait.ge [sflag:s15], $0x80  }
0x67: {  	[sflag:s15] =	ssyncset.done $0x0  }
0x68: {  	[sflag:s15] =	ssyncadd.s32 $0xFFFFFF80  }
0x69: {  	_ =	swait.ge [sflag:s23], $0x4000  }
0x6a: {  	[sflag:s23] =	ssyncset.done $0x0  }
0x6b: {  	[sflag:s23] =	ssyncadd.s32 $0xFFFFC000  }
0x6c: {  	[spmem:s2] =	stream.indirect.scatter.add.f32 [tilespmem:s20], [sflag:$0x3], $0x80, s21, s17, $0xb8;
	[tilespmem:$0x1E900] =	vst v63  }
0x6d: {  	_ =	swait.ge [sflag:s15], $0x4000  }
0x6e: {  	[sflag:s15] =	ssyncset.done $0x0  }
0x6f: {  	s31 =	simm.s32 $0x16780;
	[sflag:s15] =	ssyncadd.s32 $0xFFFFC000  }
0x70: {  	[tilespmem:s20], [sflag:$0x2] =	stream.indirect.gather [hbm4b:s4+s17], $0x80, s31, s17, $0xb8;
	[tilespmem:$0x1E900] =	vst v63  }
0x71: {  	_ = 	snop  }
0x72: {  	[tilespmem:s21], [sflag:$0x3] =	stream.linear.gather [hbm4b:s12+s3], $0x80, $0x38;
	[tilespmem:$0x1E900] =	vst v63  }
0x73: {  	_ =	swait.ge [sflag:s15], $0x80  }
0x74: {  	[sflag:s15] =	ssyncset.done $0x0  }
0x75: {  	[sflag:s15] =	ssyncadd.s32 $0xFFFFFF80  }
0x76: {  	_ =	swait.ge [sflag:s22], $0x4000  }
0x77: {  	[sflag:s22] =	ssyncset.done $0x0  }
0x78: {  	[sflag:s22] =	ssyncadd.s32 $0xFFFFC000  }
0x79: {  	[spmem:s2] =	stream.indirect.scatter.add.f32 [tilespmem:s18], [sflag:$0x3], $0x80, s19, s17, $0xb8;
	[tilespmem:$0x1E900] =	vst v63  }
0x7a: {  	_ =	swait.ge [sflag:s15], $0x4000  }
0x7b: {  	[sflag:s15] =	ssyncset.done $0x0  }
0x7c: {  	[sflag:s15] =	ssyncadd.s32 $0xFFFFC000  }
0x7d: {  	_ =	swait.ge [sflag:s23], $0x4000  }
0x7e: {  	[sflag:s23] =	ssyncset.done $0x0  }
0x7f: {  	[sflag:s23] =	ssyncadd.s32 $0xFFFFC000  }
0x80: {  	[spmem:s2] =	stream.indirect.scatter.add.f32 [tilespmem:s20], [sflag:$0x3], $0x80, s21, s17, $0xb8;
	[tilespmem:$0x1E900] =	vst v63  }
0x81: {  	_ =	swait.ge [sflag:s15], $0x4000  }
0x82: {  	s26 =	sadd.s32 $0x1, s26;
	[sflag:s15] =	ssyncset.done $0x0  }
0x83: {  	p0 =	sne.s32 s26, s11;
	[sflag:s15] =	ssyncadd.s32 $0xFFFFC000  }
.Ltmp1:
0x84: {  	[bflag:$0x0] =	sbarrier.arrive $0xFFFF;
	(pc) =	sbr.rel @p0 .LBB2_1-.Ltmp1, $4  }
0x85: {  	[hbm:s24], [sflag:s7] =	dma.local [spmem:s14], $0x2800  }
0x86: {  	_ =	swait.ge [sflag:s15], $0x2800  }
0x87: {  	[sflag:s15] =	ssyncset.done $0x0  }
0x88: {  	[sflag:s15] =	ssyncadd.s32 $0xFFFFD800  }
0x89: {  	_ =	sfence.sel $0x180000  }
0x8a: {  	[bflag:$0x0] =	sbarrier.arrive $0xFFFF  }
0x8b: {  	_ =	strace $0x9000004A  }
0x8c: {  	s0 =	stileid.u32;
	[bflag:$0x2] =	sbarrier.arrive $0xFFFF  }
0x8d: {  	p0 =	sne.s32 s0, $0x0;
	s0 =	rddreg [dreg:$0x2]  }
0x8e: {  	s0 =	sadd.s32 @!p0 $0x100000, s0  }
0x8f: {  	[sflag:s0] =	ssyncadd.tile.s32 @!p0 $0x1;
	_ =	shalt  }
.Lfunc_end2:
_tile_overlayer_lowered:
.L_overlay_start_2:
0x90: {  	(tag) =	ssettag $0x2  }
0x91: {  	s0 =	rddreg [dreg:$0x0];
	s2 =	stileid.u32  }
0x92: {  	s1 =	rddreg [dreg:$0x1];
	p0 =	sne.s32 s2, $0x0  }
0x93: {  	s3 =	rddreg [dreg:$0x2];
	[bflag:$0x3] =	sbarrier.arrive $0xFFFF;
	s2 =	simm.s32 @!p0 $0x1C03  }
0x94: {  	[timem:s3], [sflag:s2] =	dma.local @!p0 [hbm:s0], s1  }
0x95: {  	s0 =	simm.s32 @!p0 $0x3  }
0x96: {  	_ =	swait.ge @!p0 [sflag:s0], s1  }
0x97: {  	s1 =	ssub.s32 @!p0 $0x0, s1;
	[sflag:s0] =	ssyncset.done @!p0 $0x0  }
0x98: {  	[sflag:s0] =	ssyncadd.s32 @!p0 s1  }
0x99: {  	[bflag:$0x3] =	sbarrier.arrive $0xFFFF  }
0x9a: {  	_ =	shalt  }

// kernel: kernel.17.cloned.1.call-start
scs
__scs_entry_jumppad:
0x0: {  	(pc) =	sbr.rel $0x88, $3  }
0x1: {  	(tag) =	ssettag $0x0;
	lr =	simm.s32 $0x1  }
0x2: {  	[smem:$0x3F97] =	sst lr;
	_ =	strace $0xD0000000  }
0x3: {  	_ = 	snop  }
0x4: {  	_ = 	snop  }
0x5: {  	_ = 	snop  }
0x6: {  	_ = 	snop  }
0x7: {  	_ = 	snop  }
__scs_overlays_trampoline_lowered:
0x8: {  	[smem:$0x3FA6] =	sst s0  }
0x9: {  	[smem:$0x3FA7] =	sst s1  }
0xa: {  	[smem:$0x3FA8] =	sst s2  }
0xb: {  	[smem:$0x3FA9] =	sst s3  }
0xc: {  	[smem:$0x3FAA] =	sst s4  }
0xd: {  	[smem:$0x3FAB] =	sst s5  }
0xe: {  	[smem:$0x3FAC] =	sst s6  }
0xf: {  	[smem:$0x3FAD] =	sst s7  }
0x10: {  	[smem:$0x3FAE] =	sst s8  }
0x11: {  	[smem:$0x3FAF] =	sst s9;
	s0 =	simm.s32 @!p0 $0x0  }
0x12: {  	s1 =	sld [smem:$0x3F95];
	s0 =	simm.s32 @p0 $0x1  }
0x13: {  	[smem:$0x3FB0] =	sst s0;
	s0 =	simm.s32 @!p1 $0x0  }
0x14: {  	s2 =	sld [smem:$0x3F94];
	s0 =	simm.s32 @p1 $0x1  }
0x15: {  	[smem:$0x3FB1] =	sst s0;
	s0 =	simm.s32 @!p2 $0x0  }
0x16: {  	s3 =	sld [smem:$0x3FDB];
	s0 =	simm.s32 @p2 $0x1  }
0x17: {  	s4 =	simm.s32 $0x1BF5;
	[smem:$0x3FB3] =	sst s0  }
0x18: {  	s0 =	sld [smem:$0x3F96];
	_ =	swait.ge [sflag:s4], $0x0  }
0x19: {  	s7 =	sld [smem:$0x3F97]  }
0x1a: {  	s8 =	sadd.s32 $0xFFFFE003, lr  }
0x1b: {  	s9 =	sadd.s32 $0xFFFFFEF7, lr;
	s5 =	simm.s32 $0xFFFFFFFF;
	p2 =	slt.u32 s8, $0xFFFFF086  }
0x1c: {  	p1 =	slt.u32 s9, $0xF7A;
	s5 =	simm.s32 @!p2 $0x0  }
0x1d: {  	s5 =	simm.s32 @p1 $0x1;
	p0 =	seq.s32 s7, s2  }
0x1e: {  	s7 =	smul.u32 @!p0 $0xF7A, s2;
	p2 =	seq.s32 @!p0 s5, $0x0  }
0x1f: {  	s9 =	smul.u32 $0xF7A, s1;
	s8 =	simm.s32 @!p0 $0x1BF5;
	p2 =	por !p2, p0  }
0x20: {  	[sflag:s8] =	ssyncset.s32 @!p0 $0xFFFFF086;
	s6 =	sadd.s32 @!p0 s3, s7;
	s7 =	simm.s32 @!p0 $0x108  }
0x21: {  	s3 =	sadd.s32 s3, s9;
	s6 =	sadd.s32 @!p0 $0x88, s6;
	s7 =	simm.s32 @p2 $0x1082  }
0x22: {  	[simem:s7], [sflag:s8] =	dma.local @!p0 [hbm:s6], $0xF7A  }
0x23: {  	s9 =	sor.u32 $0xD0000000, s2;
	s6 =	simm.s32 $0x108;
	_ =	swait.ge @!p0 [sflag:s8], $0x0  }
0x24: {  	s3 =	sadd.s32 $0x88, s3;
	s6 =	simm.s32 @!p1 $0x1082;
	[sflag:s4] =	ssyncset.s32 $0xFFFFF086  }
0x25: {  	[simem:s6], [sflag:s4] =	dma.local [hbm:s3], $0xF7A  }
0x26: {  	[smem:$0x3F97] =	sst s1;
	(tag) =	ssettag s2;
	_ =	strace s9  }
0x27: {  	s1 =	sld [smem:$0x3FA7]  }
0x28: {  	s2 =	sld [smem:$0x3FA8]  }
0x29: {  	s4 =	sld [smem:$0x3FAA]  }
0x2a: {  	p0 =	seq.s32 s5, $0x0;
	s5 =	sld [smem:$0x3FAB]  }
0x2b: {  	s6 =	sld [smem:$0x3FAC]  }
0x2c: {  	s7 =	sld [smem:$0x3FAD]  }
0x2d: {  	s3 =	simm.s32 $0x108;
	s8 =	sld [smem:$0x3FAE]  }
0x2e: {  	s3 =	simm.s32 @!p0 $0x1082;
	s9 =	sld [smem:$0x3FAF]  }
0x2f: {  	lr =	sadd.s32 s0, s3;
	s0 =	sld [smem:$0x3FA6]  }
0x30: {  	s3 =	sld [smem:$0x3FA9]  }
0x31: {  	[smem:$0x3FB2] =	sst s10  }
0x32: {  	s10 =	sld [smem:$0x3FB0];
	_ =	sdelay $0x3  }
0x33: {  	p0 =	seq.s32 s10, $0x1;
	s10 =	sld [smem:$0x3FB2];
	_ =	sdelay $0x3  }
0x34: {  	[smem:$0x3FB2] =	sst s10  }
0x35: {  	s10 =	sld [smem:$0x3FB1];
	_ =	sdelay $0x3  }
0x36: {  	p1 =	seq.s32 s10, $0x1;
	s10 =	sld [smem:$0x3FB2];
	_ =	sdelay $0x3  }
0x37: {  	[smem:$0x3FB2] =	sst s10  }
0x38: {  	s10 =	sld [smem:$0x3FB3]  }
0x39: {  	_ = 	snop;
	(pc) =	sbr.ind lr, $3  }
0x3a: {  	_ = 	snop  }
0x3b: {  	_ = 	snop  }
0x3c: {  	p2 =	seq.s32 s10, $0x1;
	s10 =	sld [smem:$0x3FB2]  }
0x3d: {  	_ =	shalt  }
0x3e: {  	_ =	shalt  }
0x3f: {  	_ =	shalt  }
0x40: {  	_ =	shalt  }
0x41: {  	_ =	shalt  }
0x42: {  	_ =	shalt  }
0x43: {  	_ =	shalt  }
0x44: {  	_ =	shalt  }
0x45: {  	_ =	shalt  }
0x46: {  	_ =	shalt  }
0x47: {  	_ =	shalt  }
0x48: {  	_ =	shalt  }
0x49: {  	_ =	shalt  }
0x4a: {  	_ =	shalt  }
0x4b: {  	_ =	shalt  }
0x4c: {  	_ =	shalt  }
0x4d: {  	_ =	shalt  }
0x4e: {  	_ =	shalt  }
0x4f: {  	_ =	shalt  }
0x50: {  	_ =	shalt  }
0x51: {  	_ =	shalt  }
0x52: {  	_ =	shalt  }
0x53: {  	_ =	shalt  }
0x54: {  	_ =	shalt  }
0x55: {  	_ =	shalt  }
0x56: {  	_ =	shalt  }
0x57: {  	_ =	shalt  }
0x58: {  	_ =	shalt  }
0x59: {  	_ =	shalt  }
0x5a: {  	_ =	shalt  }
0x5b: {  	_ =	shalt  }
0x5c: {  	_ =	shalt  }
0x5d: {  	_ =	shalt  }
0x5e: {  	_ =	shalt  }
0x5f: {  	_ =	shalt  }
0x60: {  	_ =	shalt  }
0x61: {  	_ =	shalt  }
0x62: {  	_ =	shalt  }
0x63: {  	_ =	shalt  }
0x64: {  	_ =	shalt  }
0x65: {  	_ =	shalt  }
0x66: {  	_ =	shalt  }
0x67: {  	_ =	shalt  }
0x68: {  	_ =	shalt  }
0x69: {  	_ =	shalt  }
0x6a: {  	_ =	shalt  }
0x6b: {  	_ =	shalt  }
0x6c: {  	_ =	shalt  }
0x6d: {  	_ =	shalt  }
0x6e: {  	_ =	shalt  }
0x6f: {  	_ =	shalt  }
0x70: {  	_ =	shalt  }
0x71: {  	_ =	shalt  }
0x72: {  	_ =	shalt  }
0x73: {  	_ =	shalt  }
0x74: {  	_ =	shalt  }
0x75: {  	_ =	shalt  }
0x76: {  	_ =	shalt  }
0x77: {  	_ =	shalt  }
0x78: {  	_ =	shalt  }
0x79: {  	_ =	shalt  }
0x7a: {  	_ =	shalt  }
0x7b: {  	_ =	shalt  }
0x7c: {  	_ =	shalt  }
0x7d: {  	_ =	shalt  }
0x7e: {  	_ =	shalt  }
0x7f: {  	_ =	shalt  }
0x80: {  	_ =	shalt  }
0x81: {  	_ =	shalt  }
0x82: {  	_ =	shalt  }
0x83: {  	_ =	shalt  }
0x84: {  	_ =	shalt  }
0x85: {  	_ =	shalt  }
0x86: {  	_ =	shalt  }
0x87: {  	_ =	shalt  }
.Lfunc_end0:
.L_simem_size_0:
called_computation.2_lowered:
.L_overlay_start_0:
0x88: {  	s2 =	sld [smem:$0x3FD9]  }
0x89: {  	s3 =	sld [smem:$0x3FFE];
	_ =	sdelay $0x1  }
0x8a: {  	s1 =	srdreg.scid  }
0x8b: {  	s0 =	sand.u32 $0x1, s1  }
0x8c: {  	s16 =	sshll.u32 s0, $0xA;
	s2 =	sadd.s32 s3, s2  }
0x8d: {  	s2 =	sadd.s32 s2, s16  }
0x8e: {  	[smem:$0x3FBE] =	sst s2  }
0x8f: {  	_ = 	snop  }
0x90: {  	(tm) =	ssettm $0x1  }
0x91: {  	s17 =	sld [smem:$0x3FFB];
	_ =	sdelay $0x3  }
0x92: {  	_ =	strace s17  }
0x93: {  	s2 =	sld [smem:$0x3FFC];
	_ =	sdelay $0x3  }
0x94: {  	_ =	strace s2  }
0x95: {  	s2 =	sld [smem:$0x3FFD];
	_ =	sdelay $0x3  }
0x96: {  	_ =	strace s2  }
0x97: {  	_ =	strace $0x8FFFFFFF  }
0x98: {  	s18 =	sld [smem:$0x3FDB];
	_ =	sdelay $0x1  }
0x99: {  	s19 =	simm.s32 $_scs_section_size  }
0x9a: {  	s4 =	simm.s32 $_size__tile_overlayer_lowered;
	s5 =	simm.s32 $_tile_overlayer_lowered  }
0x9b: {  	s22 =	simm.s32 $0x1BFF;
	s21 =	sshll.u32 s5, $0x1;
	s2 =	sadd.s32 s19, s18  }
0x9c: {  	s6 =	simm.s32 $0x0;
	s20 =	sshll.u32 s4, $0x1;
	s4 =	sadd.s32 s21, s2  }
0x9d: {  	[timem:s6], [sflag:s22] =	dma.local [hbm:s4], s20  }
0x9e: {  	_ =	swait.ge [sflag:s22], s20  }
0x9f: {  	s3 =	ssub.s32 $0x0, s20;
	[sflag:s22] =	ssyncset.done $0x0  }
0xa0: {  	[sflag:s22] =	ssyncadd.s32 s3;
	_ =	sdelay $0x1  }
0xa1: {  	s23 =	simm.s32 $0x1B8B  }
0xa2: {  	_ =	swait.ge [sflag:s23], $0x1  }
0xa3: {  	[sflag:s23] =	ssyncset.done $0x0  }
0xa4: {  	s25 =	simm.s32 $0x1B8E;
	s24 =	sld [smem:$0x3FFE];
	[sflag:s23] =	ssyncadd.s32 $0xFFFFFFFF  }
0xa5: {  	s26 =	simm.s32 $execute0_lowered;
	[smem:$0x3FD2] =	sst s25  }
0xa6: {  	s4 =	sshll.u32 s26, $0x1;
	_ =	strace $0x8000004C;
	[dreg:$0x1] =	wrdreg $0xFFFFFFFF  }
0xa7: {  	s28 =	simm.s32 $_size_execute0_lowered;
	s2 =	sadd.s32 s2, s4;
	[dreg:$0x0] =	wrdreg $0x0  }
0xa8: {  	s4 =	sshll.u32 s28, $0x1;
	[dreg:$0x2] =	wrdreg s2  }
0xa9: {  	[dreg:$0x3] =	wrdreg s4  }
0xaa: {  	[dreg:$0x4] =	wrdreg $0xC0  }
0xab: {  	_ =	task [dreg:s6], $0x5FFFF  }
0xac: {  	[dreg:$0x1] =	wrdreg $0xFFFFFFFF  }
0xad: {  	[dreg:$0x0] =	wrdreg $0x60  }
0xae: {  	[dreg:$0x2] =	wrdreg s24  }
0xaf: {  	[dreg:$0x3] =	wrdreg $0x0  }
0xb0: {  	[dreg:$0x4] =	wrdreg $0x9  }
0xb1: {  	_ =	task.clear_ibuf [dreg:s6], $0x5FFFF;
	_ =	strace $0x9000004C  }
0xb2: {  	s29 =	simm.s32 $0x9;
	_ =	strace $0x8000004E  }
0xb3: {  	_ =	swait.ge [sflag:s29], $0x1  }
0xb4: {  	[sflag:s29] =	ssyncadd.s32 $0xFFFFFFFF  }
0xb5: {  	_ =	strace $0x9000004E  }
0xb6: {  	_ =	sfence  }
0xb7: {  	s30 =	sld [smem:$0x0];
	_ =	sdelay $0x2  }
0xb8: {  	s31 =	sshll.u32 s1, $0xD;
	s1 =	sshrl.u32 s1, $0x2  }
0xb9: {  	s3 =	sand.u32 $0x4000, s31;
	s1 =	sadd.s32 s1, s30  }
0xba: {  	s0 =	sor.u32 s3, s0;
	s1 =	sshll.u32 s1, $0x11  }
0xbb: {  	s0 =	sor.u32 s1, s0  }
0xbc: {  	s0 =	sadd.s32 $0x8F2B, s0  }
0xbd: {  	[sflag:s0] =	ssyncadd.remote.s32 $0x1  }
0xbe: {  	_ =	sfence.sel $0xFFFF  }
0xbf: {  	[dreg:$0x0] =	wrdreg $0xFFFFFFFF;
	(pc) =	sbr.abs _section_cstart, $3  }
0xc0: {  	[dreg:$0x1] =	wrdreg $0xFFFFFFFF  }
0xc1: {  	_ =	task.clear_ibuf [dreg:s6], $0x2FFFF;
	_ =	strace $0x9FFFFFFF  }
0xc2: {  	(tm) =	ssettm $0x7FFFFFFF  }
0xc3: {  	_ =	shalt  }
tec
execute0_lowered:
.L_overlay_start_1:
0x0: {  	(tag) =	ssettag $0x1  }
0x1: {  	s1 =	srdreg.scid;
	s5 =	rddreg [dreg:$0x0]  }
0x2: {  	s0 =	stileid.u32;
	s2 =	rddreg [dreg:$0x1];
	s3 =	simm.s32 $0x0  }
0x3: {  	s13 =	simm.s32 $0x2A80;
	s14 =	simm.s32 $0x80;
	s15 =	simm.s32 $0x5280  }
0x4: {  	s16 =	simm.s32 $0x5300;
	s17 =	simm.s32 $0x1;
	s18 =	simm.s32 $0x2  }
0x5: {  	s19 =	simm.s32 $0x2A00;
	s20 =	simm.s32 $0x5180;
	s21 =	simm.s32 $0x5200  }
0x6: {  	s24 =	simm.s32 $0x10;
	s25 =	simm.s32 $0x0;
	s6 =	sand.u32 $0x1, s1  }
0x7: {  	s28 =	sshll.u32 s0, $0x1;
	s1 =	rddreg [dreg:$0x2];
	s8 =	smul.u32 $0x280, s0  }
0x8: {  	[smem:$0x7FF] =	sst s3;
	s30 =	sshll.u32 s0, $0x6;
	s23 =	smul.u32 $0xA0, s0  }
0x9: {  	s4 =	sor.u32 s6, s28;
	_ =	strace $0x8000004D;
	s10 =	ssub.s32 $0x2, s6  }
0xa: {  	s6 =	sshll.u32 s6, $0x4;
	s7 =	smul.u32 $0x500, s4;
	s4 =	sadd.s32 $0x17000, s5  }
0xb: {  	s29 =	sshrl.u32 s8, $0x3;
	s11 =	sshrl.u32 s10, $0x1;
	s12 =	sadd.s32 s6, s5  }
0xc: {  	s31 =	sadd.s32 s8, s2;
	s6 =	sor.u32 $0x1C03, s30;
	s10 =	ssub.s32 s10, s11  }
0xd: {  	s22 =	sadd.s32 $0x17600, s12;
	s11 =	simm.s32 $0x3;
	s12 =	simm.s32 $0x280  }
0xe: {  	s9 =	sadd.s32 s7, s5;
	s7 =	sadd.s32 s29, s5;
	s22 =	sadd.s32 s23, s22  }
0xf: {  	s23 =	simm.s32 $0x20;
	s5 =	sadd.s32 $0x16A00, s7;
	s7 =	sadd.s32 $0x2A00, s9  }
0x10: {  	s8 =	sadd.s32 $0xCA00, s9;
	s9 =	smax.u32 s10, $0x1;
	s10 =	sshrl.u32 s31, $0x3  }
.LBB2_1:
0x11: {  	[spmem:s10], [sflag:s6] =	dma.local [hbm:s5], $0x50  }
0x12: {  	_ =	swait.ge [sflag:s11], $0x50  }
0x13: {  	[sflag:s11] =	ssyncset.done $0x0  }
0x14: {  	[sflag:s11] =	ssyncadd.s32 $0xFFFFFFB0  }
0x15: {  	[tilespmem:s12], [sflag:$0x3] =	stream.linear.gather [hbm4b:s7+s3], $0x2800, $0x38;
	[tilespmem:$0x5380] =	vst v63  }
0x16: {  	_ =	swait.ge [sflag:s11], $0x2800  }
0x17: {  	[sflag:s11] =	ssyncset.done $0x0  }
0x18: {  	[sflag:s11] =	ssyncadd.s32 $0xFFFFD800  }
0x19: {  	[tilespmem:s13], [sflag:$0x3] =	stream.linear.gather [hbm4b:s8+s3], $0x2800, $0x38;
	[tilespmem:$0x5380] =	vst v63  }
0x1a: {  	_ =	swait.ge [sflag:s11], $0x2800  }
0x1b: {  	[sflag:s11] =	ssyncset.done $0x0  }
0x1c: {  	[sflag:s11] =	ssyncadd.s32 $0xFFFFD800  }
0x1d: {  	[bflag:$0x0] =	sbarrier.arrive $0xFFFF  }
0x1e: {  	[tilespmem:s15], [sflag:$0x1] =	stream.indirect.gather [hbm4b:s4+s14], $0x1, s12, s14, $0xb8;
	[tilespmem:$0x5380] =	vst v63  }
0x1f: {  	s26 =	simm.s32 $0x300  }
0x20: {  	[tilespmem:s16], [sflag:$0x2] =	stream.indirect.gather [hbm4b:s4+s14], $0x1, s26, s14, $0xb8;
	[tilespmem:$0x5380] =	vst v63  }
0x21: {  	_ =	swait.ge [sflag:s17], $0x80  }
0x22: {  	[sflag:s17] =	ssyncset.done $0x0  }
0x23: {  	s29 =	simm.s32 $0x2A80;
	[sflag:s17] =	ssyncadd.s32 $0xFFFFFF80  }
0x24: {  	[spmem:s2] =	stream.indirect.scatter.add.f32 [tilespmem:s15], [sflag:$0x3], $0x1, s29, s14, $0xb8;
	[tilespmem:$0x5380] =	vst v63  }
0x25: {  	_ =	swait.ge [sflag:s11], $0x80  }
0x26: {  	[sflag:s11] =	ssyncset.done $0x0  }
0x27: {  	s30 =	simm.s32 $0x380;
	[sflag:s11] =	ssyncadd.s32 $0xFFFFFF80  }
0x28: {  	[tilespmem:s15], [sflag:$0x1] =	stream.indirect.gather [hbm4b:s4+s14], $0x1, s30, s14, $0xb8;
	[tilespmem:$0x5380] =	vst v63  }
0x29: {  	_ =	swait.ge [sflag:s18], $0x80  }
0x2a: {  	[sflag:s18] =	ssyncset.done $0x0  }
0x2b: {  	s31 =	simm.s32 $0x2B00;
	[sflag:s18] =	ssyncadd.s32 $0xFFFFFF80  }
0x2c: {  	[spmem:s2] =	stream.indirect.scatter.add.f32 [tilespmem:s16], [sflag:$0x3], $0x1, s31, s14, $0xb8;
	[tilespmem:$0x5380] =	vst v63  }
0x2d: {  	_ =	swait.ge [sflag:s11], $0x80  }
0x2e: {  	s28 =	simm.s32 $0x800;
	s26 =	simm.s32 $0x100;
	[sflag:s11] =	ssyncset.done $0x0  }
.LBB2_2:
0x2f: {  	s29 =	sadd.s32 $0x300, s26  }
0x30: {  	[sflag:s11] =	ssyncadd.s32 $0xFFFFFF80;
	s30 =	smov.u32 s28;
	s31 =	sadd.s32 $0x400, s28  }
0x31: {  	[tilespmem:s16], [sflag:$0x2] =	stream.indirect.gather [hbm4b:s4+s14], $0x1, s29, s14, $0xb8;
	[tilespmem:$0x5380] =	vst v63  }
0x32: {  	p0 =	sne.s32 s28, $0x9800;
	_ =	swait.ge [sflag:s17], $0x80  }
0x33: {  	[sflag:s17] =	ssyncset.done $0x0  }
0x34: {  	s28 =	sadd.s32 $0x2A80, s26;
	[sflag:s17] =	ssyncadd.s32 $0xFFFFFF80  }
0x35: {  	[spmem:s2] =	stream.indirect.scatter.add.f32 [tilespmem:s15], [sflag:$0x3], $0x1, s28, s14, $0xb8;
	[tilespmem:$0x5380] =	vst v63  }
0x36: {  	_ =	swait.ge [sflag:s11], $0x80  }
0x37: {  	[sflag:s11] =	ssyncset.done $0x0  }
0x38: {  	s28 =	sadd.s32 $0x380, s26;
	[sflag:s11] =	ssyncadd.s32 $0xFFFFFF80  }
0x39: {  	[tilespmem:s15], [sflag:$0x1] =	stream.indirect.gather [hbm4b:s4+s14], $0x1, s28, s14, $0xb8;
	[tilespmem:$0x5380] =	vst v63  }
0x3a: {  	_ =	swait.ge [sflag:s18], $0x80  }
.Ltmp0:
0x3b: {  	[sflag:s18] =	ssyncset.done $0x0;
	(pc) =	sbr.rel @p0 .LBB2_2-.Ltmp0, $4  }
0x3c: {  	s26 =	sadd.s32 $0x2B00, s26;
	[sflag:s18] =	ssyncadd.s32 $0xFFFFFF80  }
0x3d: {  	[spmem:s2] =	stream.indirect.scatter.add.f32 [tilespmem:s16], [sflag:$0x3], $0x1, s26, s14, $0xb8;
	[tilespmem:$0x5380] =	vst v63  }
0x3e: {  	_ =	swait.ge [sflag:s11], $0x80  }
0x3f: {  	s28 =	smov.u32 s31;
	s26 =	sshra.s32 s30, $0x2;
	[sflag:s11] =	ssyncset.done $0x0  }
0x40: {  	s28 =	sadd.s32 $0x300, s26;
	[sflag:s11] =	ssyncadd.s32 $0xFFFFFF80  }
0x41: {  	[tilespmem:s16], [sflag:$0x2] =	stream.indirect.gather [hbm4b:s4+s14], $0x1, s28, s14, $0xb8;
	[tilespmem:$0x5380] =	vst v63  }
0x42: {  	_ =	swait.ge [sflag:s17], $0x80  }
0x43: {  	[sflag:s17] =	ssyncset.done $0x0  }
0x44: {  	s29 =	sadd.s32 $0x2A80, s26;
	[sflag:s17] =	ssyncadd.s32 $0xFFFFFF80  }
0x45: {  	[spmem:s2] =	stream.indirect.scatter.add.f32 [tilespmem:s15], [sflag:$0x3], $0x1, s29, s14, $0xb8;
	[tilespmem:$0x5380] =	vst v63  }
0x46: {  	_ =	swait.ge [sflag:s11], $0x80  }
0x47: {  	[sflag:s11] =	ssyncset.done $0x0  }
0x48: {  	s30 =	sadd.s32 $0x380, s26;
	[sflag:s11] =	ssyncadd.s32 $0xFFFFFF80  }
0x49: {  	[tilespmem:s15], [sflag:$0x1] =	stream.indirect.gather [hbm4b:s4+s14], $0x1, s30, s14, $0xb8;
	[tilespmem:$0x5380] =	vst v63  }
0x4a: {  	_ =	swait.ge [sflag:s18], $0x80  }
0x4b: {  	[sflag:s18] =	ssyncset.done $0x0  }
0x4c: {  	s31 =	sadd.s32 $0x2B00, s26;
	[sflag:s18] =	ssyncadd.s32 $0xFFFFFF80  }
0x4d: {  	[spmem:s2] =	stream.indirect.scatter.add.f32 [tilespmem:s16], [sflag:$0x3], $0x1, s31, s14, $0xb8;
	[tilespmem:$0x5380] =	vst v63  }
0x4e: {  	_ =	swait.ge [sflag:s11], $0x80  }
0x4f: {  	[sflag:s11] =	ssyncset.done $0x0  }
0x50: {  	[sflag:s11] =	ssyncadd.s32 $0xFFFFFF80  }
0x51: {  	[tilespmem:s16], [sflag:$0x2] =	stream.indirect.gather [hbm4b:s4+s14], $0x1, s19, s14, $0xb8;
	[tilespmem:$0x5380] =	vst v63  }
0x52: {  	_ =	swait.ge [sflag:s17], $0x80  }
0x53: {  	[sflag:s17] =	ssyncset.done $0x0  }
0x54: {  	[sflag:s17] =	ssyncadd.s32 $0xFFFFFF80  }
0x55: {  	[spmem:s2] =	stream.indirect.scatter.add.f32 [tilespmem:s15], [sflag:$0x3], $0x1, s20, s14, $0xb8;
	[tilespmem:$0x5380] =	vst v63  }
0x56: {  	_ =	swait.ge [sflag:s11], $0x80  }
0x57: {  	[sflag:s11] =	ssyncset.done $0x0  }
0x58: {  	[sflag:s11] =	ssyncadd.s32 $0xFFFFFF80  }
0x59: {  	_ =	swait.ge [sflag:s18], $0x80  }
0x5a: {  	[sflag:s18] =	ssyncset.done $0x0  }
0x5b: {  	[sflag:s18] =	ssyncadd.s32 $0xFFFFFF80  }
0x5c: {  	[spmem:s2] =	stream.indirect.scatter.add.f32 [tilespmem:s16], [sflag:$0x3], $0x1, s21, s14, $0xb8;
	[tilespmem:$0x5380] =	vst v63  }
0x5d: {  	_ =	swait.ge [sflag:s11], $0x80  }
0x5e: {  	s25 =	sadd.s32 $0x1, s25;
	[sflag:s11] =	ssyncset.done $0x0  }
0x5f: {  	p0 =	sne.s32 s25, s9;
	[sflag:s11] =	ssyncadd.s32 $0xFFFFFF80  }
.Ltmp1:
0x60: {  	[bflag:$0x0] =	sbarrier.arrive $0xFFFF;
	(pc) =	sbr.rel @p0 .LBB2_1-.Ltmp1, $4  }
0x61: {  	[hbm:s22@s23], [sflag:s6] =	dma.strided [spmem:s10@s24], $0x50, s17, $0x10   }
0x62: {  	_ =	swait.ge [sflag:s11], $0x50  }
0x63: {  	[sflag:s11] =	ssyncset.done $0x0  }
0x64: {  	[sflag:s11] =	ssyncadd.s32 $0xFFFFFFB0  }
0x65: {  	_ =	sfence.sel $0x180000  }
0x66: {  	[bflag:$0x0] =	sbarrier.arrive $0xFFFF  }
0x67: {  	p0 =	sne.s32 s0, $0x0;
	_ =	strace $0x9000004D  }
0x68: {  	s0 =	sadd.s32 @!p0 $0x100000, s1;
	[bflag:$0x2] =	sbarrier.arrive $0xFFFF  }
0x69: {  	[sflag:s0] =	ssyncadd.tile.s32 @!p0 $0x1;
	_ =	shalt  }
.Lfunc_end2:
_tile_overlayer_lowered:
.L_overlay_start_2:
0x6a: {  	(tag) =	ssettag $0x2  }
0x6b: {  	s0 =	rddreg [dreg:$0x0];
	s2 =	stileid.u32  }
0x6c: {  	s1 =	rddreg [dreg:$0x1];
	p0 =	sne.s32 s2, $0x0  }
0x6d: {  	s3 =	rddreg [dreg:$0x2];
	[bflag:$0x3] =	sbarrier.arrive $0xFFFF;
	s2 =	simm.s32 @!p0 $0x1C03  }
0x6e: {  	[timem:s3], [sflag:s2] =	dma.local @!p0 [hbm:s0], s1  }
0x6f: {  	s0 =	simm.s32 @!p0 $0x3  }
0x70: {  	_ =	swait.ge @!p0 [sflag:s0], s1  }
0x71: {  	s1 =	ssub.s32 @!p0 $0x0, s1;
	[sflag:s0] =	ssyncset.done @!p0 $0x0  }
0x72: {  	[sflag:s0] =	ssyncadd.s32 @!p0 s1  }
0x73: {  	[bflag:$0x3] =	sbarrier.arrive $0xFFFF  }
0x74: {  	_ =	shalt  }

</sc_bundles>
